<compile_context>
chip_gen: v7x
topology: tpu7x:2x2x1
jax: 0.10.2.dev20260603
libtpu: 0.0.44.dev20260713+nightly
codegen_flags: <defaults>
</compile_context>

<pallas_src>
import functools

import jax
import jax.numpy as jnp
from jax import lax
from jax.experimental import pallas as pl
from jax.experimental.pallas import tpu as pltpu
from jax.experimental.pallas import tpu_sc as plsc


@functools.lru_cache(maxsize=None)
def _build_gather(B, V, D):
    NC, NS = 2, 16
    NW = NC * NS
    b_per_w = B // NW
    CH = 64
    n_ch = b_per_w // CH
    NBUF = 8

    mesh = plsc.VectorSubcoreMesh(core_axis_name="c", subcore_axis_name="s")

    @functools.partial(
        pl.kernel,
        mesh=mesh,
        out_type=jax.ShapeDtypeStruct((B, D), jnp.float32),
        scratch_types=[
            pltpu.VMEM((b_per_w,), jnp.int32),
            pltpu.VMEM((NBUF, CH, D), jnp.float32),
        ]
        + [pltpu.SemaphoreType.DMA] * (2 * NBUF),
    )
    def k(mem, idx_hbm, rows_hbm, idx_v, rows_v, *sems):
        g = sems[0:NBUF]
        o = sems[NBUF:2 * NBUF]

        wid = lax.axis_index("s") * NC + lax.axis_index("c")
        base = wid * b_per_w
        pltpu.sync_copy(idx_hbm.at[pl.ds(base, b_per_w)], idx_v)

        handles = {}

        def issue_gather(c):
            buf = c % NBUF
            handles[("g", c)] = pltpu.async_copy(
                mem.at[idx_v.at[pl.ds(c * CH, CH)]], rows_v.at[buf], g[buf])

        for c in range(min(NBUF, n_ch)):
            issue_gather(c)
        for c in range(n_ch):
            buf = c % NBUF
            handles[("g", c)].wait()
            handles[("o", c)] = pltpu.async_copy(
                rows_v.at[buf], rows_hbm.at[pl.ds(base + c * CH, CH)], o[buf])
            if c + NBUF < n_ch:
                handles[("o", c)].wait()
                issue_gather(c + NBUF)
        for c in range(max(0, n_ch - NBUF), n_ch):
            handles[("o", c)].wait()

    return k


@functools.lru_cache(maxsize=None)
def _build_epilogue(B, D, half):
    BLK = 8192
    n = B // BLK
    NB = min(2, n)

    def body(rows_hbm, emb_ref, num_ref, buf, sem):
        i = pl.program_id(0)

        @pl.when(i == 0)
        def _():
            pltpu.make_async_copy(
                rows_hbm.at[pl.ds(0, BLK)], buf.at[0], sem.at[0]).start()

        @pl.when(i + 1 < n)
        def _():
            pltpu.make_async_copy(
                rows_hbm.at[pl.ds((i + 1) * BLK, BLK)],
                buf.at[(i + 1) % 2], sem.at[(i + 1) % 2]).start()

        pltpu.make_async_copy(
            rows_hbm.at[pl.ds(i * BLK, BLK)],
            buf.at[i % 2], sem.at[i % 2]).wait()
        x = buf[i % 2]
        eye = (lax.broadcasted_iota(jnp.int32, (half, half), 0)
               == lax.broadcasted_iota(jnp.int32, (half, half), 1)
               ).astype(jnp.float32)
        dn = (((1,), (1,)), ((), ()))
        num_t = lax.dot_general(eye, x[:, :half], dn,
                                preferred_element_type=jnp.float32)
        den_t = lax.dot_general(eye, x[:, half:], dn,
                                preferred_element_type=jnp.float32)
        num_ref[...] = num_t
        emb_ref[...] = num_t / den_t

    return pl.pallas_call(
        body,
        grid=(n,),
        in_specs=[pl.BlockSpec(memory_space=pltpu.MemorySpace.HBM)],
        out_specs=[
            pl.BlockSpec((half, BLK), lambda i: (0, i)),
            pl.BlockSpec((half, BLK), lambda i: (0, i)),
        ],
        out_shape=(
            jax.ShapeDtypeStruct((half, B), jnp.float32),
            jax.ShapeDtypeStruct((half, B), jnp.float32),
        ),
        scratch_shapes=[
            pltpu.VMEM((NB, BLK, D), jnp.float32),
            pltpu.SemaphoreType.DMA((NB,)),
        ],
    )


def kernel(memory, nodes, memory_dim):
    V, D = memory.shape
    B = nodes.shape[0]
    half = D // 2
    rows = _build_gather(B, V, D)(memory, nodes.astype(jnp.int32))
    rows = pltpu.with_memory_space_constraint(rows, pltpu.MemorySpace.HBM)
    emb_t, num_t = _build_epilogue(B, D, half)(rows)
    return (emb_t.T, num_t.T)

# --- scband reference (transcript-rebuilt; emitter-appended) ---
"""Pipeline reference for scband-exp-lambs-embedding-63024350102026 (READ-ONLY COPY).

The authoritative reference and input builder live on the scoring server;
editing this copy changes nothing except your own understanding.
"""

import jax, jax.numpy as jnp
import numpy as np


def setup_inputs(seed: int = 0) -> dict:
    key = jax.random.key(seed)
    k1, k2 = jax.random.split(key)
    memory = jax.random.uniform(k1, (1000000, 128), dtype=jnp.float32)
    nodes = jax.random.randint(k2, (16384,), 0, 1000000)
    return {"memory": memory, "nodes": nodes, "memory_dim": 64}


def reference(memory, nodes, memory_dim):
    # Faithful translation of ExpLambsEmbedding.forward:
    #   embeddings = memory[nodes, :memory_dim] / memory[nodes, memory_dim:]
    #   return (embeddings, memory[nodes, :memory_dim])
    sel = jnp.take(memory, nodes, axis=0)
    half = memory.shape[1] // 2
    num = jax.lax.dynamic_slice_in_dim(sel, 0, half, axis=1)
    den = jax.lax.dynamic_slice_in_dim(sel, memory_dim, memory.shape[1] - half, axis=1)
    embeddings = num / den
    return (embeddings, num)

if __name__ == "__main__":
    import jax
    _d = setup_inputs()
    print(jax.jit(kernel)(*tuple(_d.values())))

</pallas_src>

<mosaic_0001>
#map = affine_map<(d0, d1) -> (0, 0)>
#map1 = affine_map<(d0, d1) -> (0)>
module attributes {stable_mosaic.version = 14 : i64} {
  func.func @k(%arg0: i32, %arg1: i32, %arg2: memref<1000000x128xf32, #tpu.memory_space<hbm>>, %arg3: memref<16384xi32, #tpu.memory_space<hbm>>, %arg4: memref<16384x128xf32, #tpu.memory_space<hbm>>, %arg5: memref<512xi32, #tpu.memory_space<vmem>>, %arg6: memref<8x64x128xf32, #tpu.memory_space<vmem>>, %arg7: memref<!tpu.dma_semaphore, #tpu.memory_space<semaphore_mem>>, %arg8: memref<!tpu.dma_semaphore, #tpu.memory_space<semaphore_mem>>, %arg9: memref<!tpu.dma_semaphore, #tpu.memory_space<semaphore_mem>>, %arg10: memref<!tpu.dma_semaphore, #tpu.memory_space<semaphore_mem>>, %arg11: memref<!tpu.dma_semaphore, #tpu.memory_space<semaphore_mem>>, %arg12: memref<!tpu.dma_semaphore, #tpu.memory_space<semaphore_mem>>, %arg13: memref<!tpu.dma_semaphore, #tpu.memory_space<semaphore_mem>>, %arg14: memref<!tpu.dma_semaphore, #tpu.memory_space<semaphore_mem>>, %arg15: memref<!tpu.dma_semaphore, #tpu.memory_space<semaphore_mem>>, %arg16: memref<!tpu.dma_semaphore, #tpu.memory_space<semaphore_mem>>, %arg17: memref<!tpu.dma_semaphore, #tpu.memory_space<semaphore_mem>>, %arg18: memref<!tpu.dma_semaphore, #tpu.memory_space<semaphore_mem>>, %arg19: memref<!tpu.dma_semaphore, #tpu.memory_space<semaphore_mem>>, %arg20: memref<!tpu.dma_semaphore, #tpu.memory_space<semaphore_mem>>, %arg21: memref<!tpu.dma_semaphore, #tpu.memory_space<semaphore_mem>>, %arg22: memref<!tpu.dma_semaphore, #tpu.memory_space<semaphore_mem>>) attributes {dimension_semantics = [#tpu.dimension_semantics<core_parallel>, #tpu.dimension_semantics<subcore_parallel>], iteration_bounds = array<i64: 2, 16>, scalar_prefetch = 0 : i64, scratch_operands = 18 : i64, tpu.core_type = #tpu.core_type<sc_vector_subcore>, window_params = [{transform_indices = #map}, {transform_indices = #map1}, {transform_indices = #map}]} {
    %mul3A = arith.constant 2 : i32
    %mul3A_0 = arith.muli %arg1, %mul3A : i32
    %add3A = arith.addi %mul3A_0, %arg0 : i32
    %mul3A_1 = arith.constant 512 : i32
    %mul3A_2 = arith.muli %add3A, %mul3A_1 : i32
    "tpu.region"() ({
      %run_scoped3A = tpu.sem_alloc : memref<!tpu.dma_semaphore, #tpu.memory_space<semaphore_mem>>
      %dma_start3A_385 = tpu.memref_slice %arg3[%mul3A_2] : memref<16384xi32, #tpu.memory_space<hbm>> -> memref<512xi32, #tpu.memory_space<hbm>>
      %dma_start3A_386 = tpu.memref_slice %arg3[%mul3A_2] : memref<16384xi32, #tpu.memory_space<hbm>> -> memref<512xi32, #tpu.memory_space<hbm>>
      tpu.enqueue_dma source(%dma_start3A_386 : memref<512xi32, #tpu.memory_space<hbm>>) target(%arg5 : memref<512xi32, #tpu.memory_space<vmem>>) target_semaphore(%run_scoped3A : memref<!tpu.dma_semaphore, #tpu.memory_space<semaphore_mem>>)
      %dma_wait3A_387 = tpu.memref_slice %arg3[%mul3A_2] : memref<16384xi32, #tpu.memory_space<hbm>> -> memref<512xi32, #tpu.memory_space<hbm>>
      %dma_wait3A_388 = tpu.memref_slice %arg3[%mul3A_2] : memref<16384xi32, #tpu.memory_space<hbm>> -> memref<512xi32, #tpu.memory_space<hbm>>
      tpu.wait_dma2 semaphore(%run_scoped3A : memref<!tpu.dma_semaphore, #tpu.memory_space<semaphore_mem>>) src(%dma_wait3A_388 : memref<512xi32, #tpu.memory_space<hbm>>) dst(%arg5 : memref<512xi32, #tpu.memory_space<vmem>>)
      tpu.yield
    }) : () -> ()
    %dma_start3A = arith.constant 0 : i32
    %dma_start3A_3 = arith.constant 0 : i32
    %dma_start3A_4 = arith.constant 0 : i32
    %dma_start3A_5 = tpu.memref_slice %arg6[%dma_start3A, %dma_start3A_3, %dma_start3A_4] : memref<8x64x128xf32, #tpu.memory_space<vmem>> -> memref<1x64x128xf32, #tpu.memory_space<vmem>>
    %dma_start3A_6 = tpu.memref_squeeze %dma_start3A_5 : memref<1x64x128xf32, #tpu.memory_space<vmem>> -> memref<64x128xf32, #tpu.memory_space<vmem>>
    %dma_start3A_7 = arith.constant 0 : i32
    %dma_start3A_8 = tpu.memref_slice %arg5[%dma_start3A_7] : memref<512xi32, #tpu.memory_space<vmem>> -> memref<64xi32, #tpu.memory_space<vmem>>
    %dma_start3A_9 = arith.constant 0 : i32
    %dma_start3A_10 = arith.constant 0 : i32
    %dma_start3A_11 = tpu.memref_slice %arg2[%dma_start3A_9, %dma_start3A_10] : memref<1000000x128xf32, #tpu.memory_space<hbm>> -> memref<1000000x128xf32, #tpu.memory_space<hbm>>
    tpu.enqueue_indirect_dma source(%dma_start3A_11 : memref<1000000x128xf32, #tpu.memory_space<hbm>>) target(%dma_start3A_6 : memref<64x128xf32, #tpu.memory_space<vmem>>) offsets(%dma_start3A_8 : memref<64xi32, #tpu.memory_space<vmem>>) semaphore(%arg7 : memref<!tpu.dma_semaphore, #tpu.memory_space<semaphore_mem>>)
    %dma_start3A_12 = arith.constant 1 : i32
    %dma_start3A_13 = arith.constant 0 : i32
    %dma_start3A_14 = arith.constant 0 : i32
    %dma_start3A_15 = tpu.memref_slice %arg6[%dma_start3A_12, %dma_start3A_13, %dma_start3A_14] : memref<8x64x128xf32, #tpu.memory_space<vmem>> -> memref<1x64x128xf32, #tpu.memory_space<vmem>>
    %dma_start3A_16 = tpu.memref_squeeze %dma_start3A_15 : memref<1x64x128xf32, #tpu.memory_space<vmem>> -> memref<64x128xf32, #tpu.memory_space<vmem>>
    %dma_start3A_17 = arith.constant 64 : i32
    %dma_start3A_18 = tpu.memref_slice %arg5[%dma_start3A_17] : memref<512xi32, #tpu.memory_space<vmem>> -> memref<64xi32, #tpu.memory_space<vmem>>
    %dma_start3A_19 = arith.constant 0 : i32
    %dma_start3A_20 = arith.constant 0 : i32
    %dma_start3A_21 = tpu.memref_slice %arg2[%dma_start3A_19, %dma_start3A_20] : memref<1000000x128xf32, #tpu.memory_space<hbm>> -> memref<1000000x128xf32, #tpu.memory_space<hbm>>
    tpu.enqueue_indirect_dma source(%dma_start3A_21 : memref<1000000x128xf32, #tpu.memory_space<hbm>>) target(%dma_start3A_16 : memref<64x128xf32, #tpu.memory_space<vmem>>) offsets(%dma_start3A_18 : memref<64xi32, #tpu.memory_space<vmem>>) semaphore(%arg8 : memref<!tpu.dma_semaphore, #tpu.memory_space<semaphore_mem>>)
    %dma_start3A_22 = arith.constant 2 : i32
    %dma_start3A_23 = arith.constant 0 : i32
    %dma_start3A_24 = arith.constant 0 : i32
    %dma_start3A_25 = tpu.memref_slice %arg6[%dma_start3A_22, %dma_start3A_23, %dma_start3A_24] : memref<8x64x128xf32, #tpu.memory_space<vmem>> -> memref<1x64x128xf32, #tpu.memory_space<vmem>>
    %dma_start3A_26 = tpu.memref_squeeze %dma_start3A_25 : memref<1x64x128xf32, #tpu.memory_space<vmem>> -> memref<64x128xf32, #tpu.memory_space<vmem>>
    %dma_start3A_27 = arith.constant 128 : i32
    %dma_start3A_28 = tpu.memref_slice %arg5[%dma_start3A_27] : memref<512xi32, #tpu.memory_space<vmem>> -> memref<64xi32, #tpu.memory_space<vmem>>
    %dma_start3A_29 = arith.constant 0 : i32
    %dma_start3A_30 = arith.constant 0 : i32
    %dma_start3A_31 = tpu.memref_slice %arg2[%dma_start3A_29, %dma_start3A_30] : memref<1000000x128xf32, #tpu.memory_space<hbm>> -> memref<1000000x128xf32, #tpu.memory_space<hbm>>
    tpu.enqueue_indirect_dma source(%dma_start3A_31 : memref<1000000x128xf32, #tpu.memory_space<hbm>>) target(%dma_start3A_26 : memref<64x128xf32, #tpu.memory_space<vmem>>) offsets(%dma_start3A_28 : memref<64xi32, #tpu.memory_space<vmem>>) semaphore(%arg9 : memref<!tpu.dma_semaphore, #tpu.memory_space<semaphore_mem>>)
    %dma_start3A_32 = arith.constant 3 : i32
    %dma_start3A_33 = arith.constant 0 : i32
    %dma_start3A_34 = arith.constant 0 : i32
    %dma_start3A_35 = tpu.memref_slice %arg6[%dma_start3A_32, %dma_start3A_33, %dma_start3A_34] : memref<8x64x128xf32, #tpu.memory_space<vmem>> -> memref<1x64x128xf32, #tpu.memory_space<vmem>>
    %dma_start3A_36 = tpu.memref_squeeze %dma_start3A_35 : memref<1x64x128xf32, #tpu.memory_space<vmem>> -> memref<64x128xf32, #tpu.memory_space<vmem>>
    %dma_start3A_37 = arith.constant 192 : i32
    %dma_start3A_38 = tpu.memref_slice %arg5[%dma_start3A_37] : memref<512xi32, #tpu.memory_space<vmem>> -> memref<64xi32, #tpu.memory_space<vmem>>
    %dma_start3A_39 = arith.constant 0 : i32
    %dma_start3A_40 = arith.constant 0 : i32
    %dma_start3A_41 = tpu.memref_slice %arg2[%dma_start3A_39, %dma_start3A_40] : memref<1000000x128xf32, #tpu.memory_space<hbm>> -> memref<1000000x128xf32, #tpu.memory_space<hbm>>
    tpu.enqueue_indirect_dma source(%dma_start3A_41 : memref<1000000x128xf32, #tpu.memory_space<hbm>>) target(%dma_start3A_36 : memref<64x128xf32, #tpu.memory_space<vmem>>) offsets(%dma_start3A_38 : memref<64xi32, #tpu.memory_space<vmem>>) semaphore(%arg10 : memref<!tpu.dma_semaphore, #tpu.memory_space<semaphore_mem>>)
    %dma_start3A_42 = arith.constant 4 : i32
    %dma_start3A_43 = arith.constant 0 : i32
    %dma_start3A_44 = arith.constant 0 : i32
    %dma_start3A_45 = tpu.memref_slice %arg6[%dma_start3A_42, %dma_start3A_43, %dma_start3A_44] : memref<8x64x128xf32, #tpu.memory_space<vmem>> -> memref<1x64x128xf32, #tpu.memory_space<vmem>>
    %dma_start3A_46 = tpu.memref_squeeze %dma_start3A_45 : memref<1x64x128xf32, #tpu.memory_space<vmem>> -> memref<64x128xf32, #tpu.memory_space<vmem>>
    %dma_start3A_47 = arith.constant 256 : i32
    %dma_start3A_48 = tpu.memref_slice %arg5[%dma_start3A_47] : memref<512xi32, #tpu.memory_space<vmem>> -> memref<64xi32, #tpu.memory_space<vmem>>
    %dma_start3A_49 = arith.constant 0 : i32
    %dma_start3A_50 = arith.constant 0 : i32
    %dma_start3A_51 = tpu.memref_slice %arg2[%dma_start3A_49, %dma_start3A_50] : memref<1000000x128xf32, #tpu.memory_space<hbm>> -> memref<1000000x128xf32, #tpu.memory_space<hbm>>
    tpu.enqueue_indirect_dma source(%dma_start3A_51 : memref<1000000x128xf32, #tpu.memory_space<hbm>>) target(%dma_start3A_46 : memref<64x128xf32, #tpu.memory_space<vmem>>) offsets(%dma_start3A_48 : memref<64xi32, #tpu.memory_space<vmem>>) semaphore(%arg11 : memref<!tpu.dma_semaphore, #tpu.memory_space<semaphore_mem>>)
    %dma_start3A_52 = arith.constant 5 : i32
    %dma_start3A_53 = arith.constant 0 : i32
    %dma_start3A_54 = arith.constant 0 : i32
    %dma_start3A_55 = tpu.memref_slice %arg6[%dma_start3A_52, %dma_start3A_53, %dma_start3A_54] : memref<8x64x128xf32, #tpu.memory_space<vmem>> -> memref<1x64x128xf32, #tpu.memory_space<vmem>>
    %dma_start3A_56 = tpu.memref_squeeze %dma_start3A_55 : memref<1x64x128xf32, #tpu.memory_space<vmem>> -> memref<64x128xf32, #tpu.memory_space<vmem>>
    %dma_start3A_57 = arith.constant 320 : i32
    %dma_start3A_58 = tpu.memref_slice %arg5[%dma_start3A_57] : memref<512xi32, #tpu.memory_space<vmem>> -> memref<64xi32, #tpu.memory_space<vmem>>
    %dma_start3A_59 = arith.constant 0 : i32
    %dma_start3A_60 = arith.constant 0 : i32
    %dma_start3A_61 = tpu.memref_slice %arg2[%dma_start3A_59, %dma_start3A_60] : memref<1000000x128xf32, #tpu.memory_space<hbm>> -> memref<1000000x128xf32, #tpu.memory_space<hbm>>
    tpu.enqueue_indirect_dma source(%dma_start3A_61 : memref<1000000x128xf32, #tpu.memory_space<hbm>>) target(%dma_start3A_56 : memref<64x128xf32, #tpu.memory_space<vmem>>) offsets(%dma_start3A_58 : memref<64xi32, #tpu.memory_space<vmem>>) semaphore(%arg12 : memref<!tpu.dma_semaphore, #tpu.memory_space<semaphore_mem>>)
    %dma_start3A_62 = arith.constant 6 : i32
    %dma_start3A_63 = arith.constant 0 : i32
    %dma_start3A_64 = arith.constant 0 : i32
    %dma_start3A_65 = tpu.memref_slice %arg6[%dma_start3A_62, %dma_start3A_63, %dma_start3A_64] : memref<8x64x128xf32, #tpu.memory_space<vmem>> -> memref<1x64x128xf32, #tpu.memory_space<vmem>>
    %dma_start3A_66 = tpu.memref_squeeze %dma_start3A_65 : memref<1x64x128xf32, #tpu.memory_space<vmem>> -> memref<64x128xf32, #tpu.memory_space<vmem>>
    %dma_start3A_67 = arith.constant 384 : i32
    %dma_start3A_68 = tpu.memref_slice %arg5[%dma_start3A_67] : memref<512xi32, #tpu.memory_space<vmem>> -> memref<64xi32, #tpu.memory_space<vmem>>
    %dma_start3A_69 = arith.constant 0 : i32
    %dma_start3A_70 = arith.constant 0 : i32
    %dma_start3A_71 = tpu.memref_slice %arg2[%dma_start3A_69, %dma_start3A_70] : memref<1000000x128xf32, #tpu.memory_space<hbm>> -> memref<1000000x128xf32, #tpu.memory_space<hbm>>
    tpu.enqueue_indirect_dma source(%dma_start3A_71 : memref<1000000x128xf32, #tpu.memory_space<hbm>>) target(%dma_start3A_66 : memref<64x128xf32, #tpu.memory_space<vmem>>) offsets(%dma_start3A_68 : memref<64xi32, #tpu.memory_space<vmem>>) semaphore(%arg13 : memref<!tpu.dma_semaphore, #tpu.memory_space<semaphore_mem>>)
    %dma_start3A_72 = arith.constant 7 : i32
    %dma_start3A_73 = arith.constant 0 : i32
    %dma_start3A_74 = arith.constant 0 : i32
    %dma_start3A_75 = tpu.memref_slice %arg6[%dma_start3A_72, %dma_start3A_73, %dma_start3A_74] : memref<8x64x128xf32, #tpu.memory_space<vmem>> -> memref<1x64x128xf32, #tpu.memory_space<vmem>>
    %dma_start3A_76 = tpu.memref_squeeze %dma_start3A_75 : memref<1x64x128xf32, #tpu.memory_space<vmem>> -> memref<64x128xf32, #tpu.memory_space<vmem>>
    %dma_start3A_77 = arith.constant 448 : i32
    %dma_start3A_78 = tpu.memref_slice %arg5[%dma_start3A_77] : memref<512xi32, #tpu.memory_space<vmem>> -> memref<64xi32, #tpu.memory_space<vmem>>
    %dma_start3A_79 = arith.constant 0 : i32
    %dma_start3A_80 = arith.constant 0 : i32
    %dma_start3A_81 = tpu.memref_slice %arg2[%dma_start3A_79, %dma_start3A_80] : memref<1000000x128xf32, #tpu.memory_space<hbm>> -> memref<1000000x128xf32, #tpu.memory_space<hbm>>
    tpu.enqueue_indirect_dma source(%dma_start3A_81 : memref<1000000x128xf32, #tpu.memory_space<hbm>>) target(%dma_start3A_76 : memref<64x128xf32, #tpu.memory_space<vmem>>) offsets(%dma_start3A_78 : memref<64xi32, #tpu.memory_space<vmem>>) semaphore(%arg14 : memref<!tpu.dma_semaphore, #tpu.memory_space<semaphore_mem>>)
    %dma_wait3A = arith.constant 0 : i32
    %dma_wait3A_82 = arith.constant 0 : i32
    %dma_wait3A_83 = arith.constant 0 : i32
    %dma_wait3A_84 = tpu.memref_slice %arg6[%dma_wait3A, %dma_wait3A_82, %dma_wait3A_83] : memref<8x64x128xf32, #tpu.memory_space<vmem>> -> memref<1x64x128xf32, #tpu.memory_space<vmem>>
    %dma_wait3A_85 = tpu.memref_squeeze %dma_wait3A_84 : memref<1x64x128xf32, #tpu.memory_space<vmem>> -> memref<64x128xf32, #tpu.memory_space<vmem>>
    %dma_wait3A_86 = arith.constant 0 : i32
    %dma_wait3A_87 = tpu.memref_slice %arg5[%dma_wait3A_86] : memref<512xi32, #tpu.memory_space<vmem>> -> memref<64xi32, #tpu.memory_space<vmem>>
    %dma_wait3A_88 = arith.constant 0 : i32
    %dma_wait3A_89 = arith.constant 0 : i32
    %dma_wait3A_90 = tpu.memref_slice %arg2[%dma_wait3A_88, %dma_wait3A_89] : memref<1000000x128xf32, #tpu.memory_space<hbm>> -> memref<1000000x128xf32, #tpu.memory_space<hbm>>
    tpu.wait_indirect_dma semaphore(%arg7 : memref<!tpu.dma_semaphore, #tpu.memory_space<semaphore_mem>>) src(%dma_wait3A_90 : memref<1000000x128xf32, #tpu.memory_space<hbm>>) dst(%dma_wait3A_85 : memref<64x128xf32, #tpu.memory_space<vmem>>)
    %add3A_91 = arith.constant 0 : i32
    %add3A_92 = arith.addi %mul3A_2, %add3A_91 : i32
    %dma_start3A_93 = arith.constant 0 : i32
    %dma_start3A_94 = arith.constant 0 : i32
    %dma_start3A_95 = arith.constant 0 : i32
    %dma_start3A_96 = tpu.memref_slice %arg6[%dma_start3A_93, %dma_start3A_94, %dma_start3A_95] : memref<8x64x128xf32, #tpu.memory_space<vmem>> -> memref<1x64x128xf32, #tpu.memory_space<vmem>>
    %dma_start3A_97 = tpu.memref_squeeze %dma_start3A_96 : memref<1x64x128xf32, #tpu.memory_space<vmem>> -> memref<64x128xf32, #tpu.memory_space<vmem>>
    %dma_start3A_98 = arith.constant 0 : i32
    %dma_start3A_99 = tpu.memref_slice %arg4[%add3A_92, %dma_start3A_98] : memref<16384x128xf32, #tpu.memory_space<hbm>> -> memref<64x128xf32, #tpu.memory_space<hbm>>
    %dma_start3A_100 = arith.constant 0 : i32
    %dma_start3A_101 = tpu.memref_slice %arg4[%add3A_92, %dma_start3A_100] : memref<16384x128xf32, #tpu.memory_space<hbm>> -> memref<64x128xf32, #tpu.memory_space<hbm>>
    %dma_start3A_102 = arith.constant 0 : i32
    %dma_start3A_103 = arith.constant 0 : i32
    %dma_start3A_104 = tpu.memref_slice %arg6[%dma_start3A_93, %dma_start3A_102, %dma_start3A_103] : memref<8x64x128xf32, #tpu.memory_space<vmem>> -> memref<1x64x128xf32, #tpu.memory_space<vmem>>
    %dma_start3A_105 = tpu.memref_squeeze %dma_start3A_104 : memref<1x64x128xf32, #tpu.memory_space<vmem>> -> memref<64x128xf32, #tpu.memory_space<vmem>>
    tpu.enqueue_dma source(%dma_start3A_105 : memref<64x128xf32, #tpu.memory_space<vmem>>) target(%dma_start3A_101 : memref<64x128xf32, #tpu.memory_space<hbm>>) target_semaphore(%arg15 : memref<!tpu.dma_semaphore, #tpu.memory_space<semaphore_mem>>)
    %dma_wait3A_106 = arith.constant 1 : i32
    %dma_wait3A_107 = arith.constant 0 : i32
    %dma_wait3A_108 = arith.constant 0 : i32
    %dma_wait3A_109 = tpu.memref_slice %arg6[%dma_wait3A_106, %dma_wait3A_107, %dma_wait3A_108] : memref<8x64x128xf32, #tpu.memory_space<vmem>> -> memref<1x64x128xf32, #tpu.memory_space<vmem>>
    %dma_wait3A_110 = tpu.memref_squeeze %dma_wait3A_109 : memref<1x64x128xf32, #tpu.memory_space<vmem>> -> memref<64x128xf32, #tpu.memory_space<vmem>>
    %dma_wait3A_111 = arith.constant 64 : i32
    %dma_wait3A_112 = tpu.memref_slice %arg5[%dma_wait3A_111] : memref<512xi32, #tpu.memory_space<vmem>> -> memref<64xi32, #tpu.memory_space<vmem>>
    %dma_wait3A_113 = arith.constant 0 : i32
    %dma_wait3A_114 = arith.constant 0 : i32
    %dma_wait3A_115 = tpu.memref_slice %arg2[%dma_wait3A_113, %dma_wait3A_114] : memref<1000000x128xf32, #tpu.memory_space<hbm>> -> memref<1000000x128xf32, #tpu.memory_space<hbm>>
    tpu.wait_indirect_dma semaphore(%arg8 : memref<!tpu.dma_semaphore, #tpu.memory_space<semaphore_mem>>) src(%dma_wait3A_115 : memref<1000000x128xf32, #tpu.memory_space<hbm>>) dst(%dma_wait3A_110 : memref<64x128xf32, #tpu.memory_space<vmem>>)
    %add3A_116 = arith.constant 64 : i32
    %add3A_117 = arith.addi %mul3A_2, %add3A_116 : i32
    %dma_start3A_118 = arith.constant 1 : i32
    %dma_start3A_119 = arith.constant 0 : i32
    %dma_start3A_120 = arith.constant 0 : i32
    %dma_start3A_121 = tpu.memref_slice %arg6[%dma_start3A_118, %dma_start3A_119, %dma_start3A_120] : memref<8x64x128xf32, #tpu.memory_space<vmem>> -> memref<1x64x128xf32, #tpu.memory_space<vmem>>
    %dma_start3A_122 = tpu.memref_squeeze %dma_start3A_121 : memref<1x64x128xf32, #tpu.memory_space<vmem>> -> memref<64x128xf32, #tpu.memory_space<vmem>>
    %dma_start3A_123 = arith.constant 0 : i32
    %dma_start3A_124 = tpu.memref_slice %arg4[%add3A_117, %dma_start3A_123] : memref<16384x128xf32, #tpu.memory_space<hbm>> -> memref<64x128xf32, #tpu.memory_space<hbm>>
    %dma_start3A_125 = arith.constant 0 : i32
    %dma_start3A_126 = tpu.memref_slice %arg4[%add3A_117, %dma_start3A_125] : memref<16384x128xf32, #tpu.memory_space<hbm>> -> memref<64x128xf32, #tpu.memory_space<hbm>>
    %dma_start3A_127 = arith.constant 0 : i32
    %dma_start3A_128 = arith.constant 0 : i32
    %dma_start3A_129 = tpu.memref_slice %arg6[%dma_start3A_118, %dma_start3A_127, %dma_start3A_128] : memref<8x64x128xf32, #tpu.memory_space<vmem>> -> memref<1x64x128xf32, #tpu.memory_space<vmem>>
    %dma_start3A_130 = tpu.memref_squeeze %dma_start3A_129 : memref<1x64x128xf32, #tpu.memory_space<vmem>> -> memref<64x128xf32, #tpu.memory_space<vmem>>
    tpu.enqueue_dma source(%dma_start3A_130 : memref<64x128xf32, #tpu.memory_space<vmem>>) target(%dma_start3A_126 : memref<64x128xf32, #tpu.memory_space<hbm>>) target_semaphore(%arg16 : memref<!tpu.dma_semaphore, #tpu.memory_space<semaphore_mem>>)
    %dma_wait3A_131 = arith.constant 2 : i32
    %dma_wait3A_132 = arith.constant 0 : i32
    %dma_wait3A_133 = arith.constant 0 : i32
    %dma_wait3A_134 = tpu.memref_slice %arg6[%dma_wait3A_131, %dma_wait3A_132, %dma_wait3A_133] : memref<8x64x128xf32, #tpu.memory_space<vmem>> -> memref<1x64x128xf32, #tpu.memory_space<vmem>>
    %dma_wait3A_135 = tpu.memref_squeeze %dma_wait3A_134 : memref<1x64x128xf32, #tpu.memory_space<vmem>> -> memref<64x128xf32, #tpu.memory_space<vmem>>
    %dma_wait3A_136 = arith.constant 128 : i32
    %dma_wait3A_137 = tpu.memref_slice %arg5[%dma_wait3A_136] : memref<512xi32, #tpu.memory_space<vmem>> -> memref<64xi32, #tpu.memory_space<vmem>>
    %dma_wait3A_138 = arith.constant 0 : i32
    %dma_wait3A_139 = arith.constant 0 : i32
    %dma_wait3A_140 = tpu.memref_slice %arg2[%dma_wait3A_138, %dma_wait3A_139] : memref<1000000x128xf32, #tpu.memory_space<hbm>> -> memref<1000000x128xf32, #tpu.memory_space<hbm>>
    tpu.wait_indirect_dma semaphore(%arg9 : memref<!tpu.dma_semaphore, #tpu.memory_space<semaphore_mem>>) src(%dma_wait3A_140 : memref<1000000x128xf32, #tpu.memory_space<hbm>>) dst(%dma_wait3A_135 : memref<64x128xf32, #tpu.memory_space<vmem>>)
    %add3A_141 = arith.constant 128 : i32
    %add3A_142 = arith.addi %mul3A_2, %add3A_141 : i32
    %dma_start3A_143 = arith.constant 2 : i32
    %dma_start3A_144 = arith.constant 0 : i32
    %dma_start3A_145 = arith.constant 0 : i32
    %dma_start3A_146 = tpu.memref_slice %arg6[%dma_start3A_143, %dma_start3A_144, %dma_start3A_145] : memref<8x64x128xf32, #tpu.memory_space<vmem>> -> memref<1x64x128xf32, #tpu.memory_space<vmem>>
    %dma_start3A_147 = tpu.memref_squeeze %dma_start3A_146 : memref<1x64x128xf32, #tpu.memory_space<vmem>> -> memref<64x128xf32, #tpu.memory_space<vmem>>
    %dma_start3A_148 = arith.constant 0 : i32
    %dma_start3A_149 = tpu.memref_slice %arg4[%add3A_142, %dma_start3A_148] : memref<16384x128xf32, #tpu.memory_space<hbm>> -> memref<64x128xf32, #tpu.memory_space<hbm>>
    %dma_start3A_150 = arith.constant 0 : i32
    %dma_start3A_151 = tpu.memref_slice %arg4[%add3A_142, %dma_start3A_150] : memref<16384x128xf32, #tpu.memory_space<hbm>> -> memref<64x128xf32, #tpu.memory_space<hbm>>
    %dma_start3A_152 = arith.constant 0 : i32
    %dma_start3A_153 = arith.constant 0 : i32
    %dma_start3A_154 = tpu.memref_slice %arg6[%dma_start3A_143, %dma_start3A_152, %dma_start3A_153] : memref<8x64x128xf32, #tpu.memory_space<vmem>> -> memref<1x64x128xf32, #tpu.memory_space<vmem>>
    %dma_start3A_155 = tpu.memref_squeeze %dma_start3A_154 : memref<1x64x128xf32, #tpu.memory_space<vmem>> -> memref<64x128xf32, #tpu.memory_space<vmem>>
    tpu.enqueue_dma source(%dma_start3A_155 : memref<64x128xf32, #tpu.memory_space<vmem>>) target(%dma_start3A_151 : memref<64x128xf32, #tpu.memory_space<hbm>>) target_semaphore(%arg17 : memref<!tpu.dma_semaphore, #tpu.memory_space<semaphore_mem>>)
    %dma_wait3A_156 = arith.constant 3 : i32
    %dma_wait3A_157 = arith.constant 0 : i32
    %dma_wait3A_158 = arith.constant 0 : i32
    %dma_wait3A_159 = tpu.memref_slice %arg6[%dma_wait3A_156, %dma_wait3A_157, %dma_wait3A_158] : memref<8x64x128xf32, #tpu.memory_space<vmem>> -> memref<1x64x128xf32, #tpu.memory_space<vmem>>
    %dma_wait3A_160 = tpu.memref_squeeze %dma_wait3A_159 : memref<1x64x128xf32, #tpu.memory_space<vmem>> -> memref<64x128xf32, #tpu.memory_space<vmem>>
    %dma_wait3A_161 = arith.constant 192 : i32
    %dma_wait3A_162 = tpu.memref_slice %arg5[%dma_wait3A_161] : memref<512xi32, #tpu.memory_space<vmem>> -> memref<64xi32, #tpu.memory_space<vmem>>
    %dma_wait3A_163 = arith.constant 0 : i32
    %dma_wait3A_164 = arith.constant 0 : i32
    %dma_wait3A_165 = tpu.memref_slice %arg2[%dma_wait3A_163, %dma_wait3A_164] : memref<1000000x128xf32, #tpu.memory_space<hbm>> -> memref<1000000x128xf32, #tpu.memory_space<hbm>>
    tpu.wait_indirect_dma semaphore(%arg10 : memref<!tpu.dma_semaphore, #tpu.memory_space<semaphore_mem>>) src(%dma_wait3A_165 : memref<1000000x128xf32, #tpu.memory_space<hbm>>) dst(%dma_wait3A_160 : memref<64x128xf32, #tpu.memory_space<vmem>>)
    %add3A_166 = arith.constant 192 : i32
    %add3A_167 = arith.addi %mul3A_2, %add3A_166 : i32
    %dma_start3A_168 = arith.constant 3 : i32
    %dma_start3A_169 = arith.constant 0 : i32
    %dma_start3A_170 = arith.constant 0 : i32
    %dma_start3A_171 = tpu.memref_slice %arg6[%dma_start3A_168, %dma_start3A_169, %dma_start3A_170] : memref<8x64x128xf32, #tpu.memory_space<vmem>> -> memref<1x64x128xf32, #tpu.memory_space<vmem>>
    %dma_start3A_172 = tpu.memref_squeeze %dma_start3A_171 : memref<1x64x128xf32, #tpu.memory_space<vmem>> -> memref<64x128xf32, #tpu.memory_space<vmem>>
    %dma_start3A_173 = arith.constant 0 : i32
    %dma_start3A_174 = tpu.memref_slice %arg4[%add3A_167, %dma_start3A_173] : memref<16384x128xf32, #tpu.memory_space<hbm>> -> memref<64x128xf32, #tpu.memory_space<hbm>>
    %dma_start3A_175 = arith.constant 0 : i32
    %dma_start3A_176 = tpu.memref_slice %arg4[%add3A_167, %dma_start3A_175] : memref<16384x128xf32, #tpu.memory_space<hbm>> -> memref<64x128xf32, #tpu.memory_space<hbm>>
    %dma_start3A_177 = arith.constant 0 : i32
    %dma_start3A_178 = arith.constant 0 : i32
    %dma_start3A_179 = tpu.memref_slice %arg6[%dma_start3A_168, %dma_start3A_177, %dma_start3A_178] : memref<8x64x128xf32, #tpu.memory_space<vmem>> -> memref<1x64x128xf32, #tpu.memory_space<vmem>>
    %dma_start3A_180 = tpu.memref_squeeze %dma_start3A_179 : memref<1x64x128xf32, #tpu.memory_space<vmem>> -> memref<64x128xf32, #tpu.memory_space<vmem>>
    tpu.enqueue_dma source(%dma_start3A_180 : memref<64x128xf32, #tpu.memory_space<vmem>>) target(%dma_start3A_176 : memref<64x128xf32, #tpu.memory_space<hbm>>) target_semaphore(%arg18 : memref<!tpu.dma_semaphore, #tpu.memory_space<semaphore_mem>>)
    %dma_wait3A_181 = arith.constant 4 : i32
    %dma_wait3A_182 = arith.constant 0 : i32
    %dma_wait3A_183 = arith.constant 0 : i32
    %dma_wait3A_184 = tpu.memref_slice %arg6[%dma_wait3A_181, %dma_wait3A_182, %dma_wait3A_183] : memref<8x64x128xf32, #tpu.memory_space<vmem>> -> memref<1x64x128xf32, #tpu.memory_space<vmem>>
    %dma_wait3A_185 = tpu.memref_squeeze %dma_wait3A_184 : memref<1x64x128xf32, #tpu.memory_space<vmem>> -> memref<64x128xf32, #tpu.memory_space<vmem>>
    %dma_wait3A_186 = arith.constant 256 : i32
    %dma_wait3A_187 = tpu.memref_slice %arg5[%dma_wait3A_186] : memref<512xi32, #tpu.memory_space<vmem>> -> memref<64xi32, #tpu.memory_space<vmem>>
    %dma_wait3A_188 = arith.constant 0 : i32
    %dma_wait3A_189 = arith.constant 0 : i32
    %dma_wait3A_190 = tpu.memref_slice %arg2[%dma_wait3A_188, %dma_wait3A_189] : memref<1000000x128xf32, #tpu.memory_space<hbm>> -> memref<1000000x128xf32, #tpu.memory_space<hbm>>
    tpu.wait_indirect_dma semaphore(%arg11 : memref<!tpu.dma_semaphore, #tpu.memory_space<semaphore_mem>>) src(%dma_wait3A_190 : memref<1000000x128xf32, #tpu.memory_space<hbm>>) dst(%dma_wait3A_185 : memref<64x128xf32, #tpu.memory_space<vmem>>)
    %add3A_191 = arith.constant 256 : i32
    %add3A_192 = arith.addi %mul3A_2, %add3A_191 : i32
    %dma_start3A_193 = arith.constant 4 : i32
    %dma_start3A_194 = arith.constant 0 : i32
    %dma_start3A_195 = arith.constant 0 : i32
    %dma_start3A_196 = tpu.memref_slice %arg6[%dma_start3A_193, %dma_start3A_194, %dma_start3A_195] : memref<8x64x128xf32, #tpu.memory_space<vmem>> -> memref<1x64x128xf32, #tpu.memory_space<vmem>>
    %dma_start3A_197 = tpu.memref_squeeze %dma_start3A_196 : memref<1x64x128xf32, #tpu.memory_space<vmem>> -> memref<64x128xf32, #tpu.memory_space<vmem>>
    %dma_start3A_198 = arith.constant 0 : i32
    %dma_start3A_199 = tpu.memref_slice %arg4[%add3A_192, %dma_start3A_198] : memref<16384x128xf32, #tpu.memory_space<hbm>> -> memref<64x128xf32, #tpu.memory_space<hbm>>
    %dma_start3A_200 = arith.constant 0 : i32
    %dma_start3A_201 = tpu.memref_slice %arg4[%add3A_192, %dma_start3A_200] : memref<16384x128xf32, #tpu.memory_space<hbm>> -> memref<64x128xf32, #tpu.memory_space<hbm>>
    %dma_start3A_202 = arith.constant 0 : i32
    %dma_start3A_203 = arith.constant 0 : i32
    %dma_start3A_204 = tpu.memref_slice %arg6[%dma_start3A_193, %dma_start3A_202, %dma_start3A_203] : memref<8x64x128xf32, #tpu.memory_space<vmem>> -> memref<1x64x128xf32, #tpu.memory_space<vmem>>
    %dma_start3A_205 = tpu.memref_squeeze %dma_start3A_204 : memref<1x64x128xf32, #tpu.memory_space<vmem>> -> memref<64x128xf32, #tpu.memory_space<vmem>>
    tpu.enqueue_dma source(%dma_start3A_205 : memref<64x128xf32, #tpu.memory_space<vmem>>) target(%dma_start3A_201 : memref<64x128xf32, #tpu.memory_space<hbm>>) target_semaphore(%arg19 : memref<!tpu.dma_semaphore, #tpu.memory_space<semaphore_mem>>)
    %dma_wait3A_206 = arith.constant 5 : i32
    %dma_wait3A_207 = arith.constant 0 : i32
    %dma_wait3A_208 = arith.constant 0 : i32
    %dma_wait3A_209 = tpu.memref_slice %arg6[%dma_wait3A_206, %dma_wait3A_207, %dma_wait3A_208] : memref<8x64x128xf32, #tpu.memory_space<vmem>> -> memref<1x64x128xf32, #tpu.memory_space<vmem>>
    %dma_wait3A_210 = tpu.memref_squeeze %dma_wait3A_209 : memref<1x64x128xf32, #tpu.memory_space<vmem>> -> memref<64x128xf32, #tpu.memory_space<vmem>>
    %dma_wait3A_211 = arith.constant 320 : i32
    %dma_wait3A_212 = tpu.memref_slice %arg5[%dma_wait3A_211] : memref<512xi32, #tpu.memory_space<vmem>> -> memref<64xi32, #tpu.memory_space<vmem>>
    %dma_wait3A_213 = arith.constant 0 : i32
    %dma_wait3A_214 = arith.constant 0 : i32
    %dma_wait3A_215 = tpu.memref_slice %arg2[%dma_wait3A_213, %dma_wait3A_214] : memref<1000000x128xf32, #tpu.memory_space<hbm>> -> memref<1000000x128xf32, #tpu.memory_space<hbm>>
    tpu.wait_indirect_dma semaphore(%arg12 : memref<!tpu.dma_semaphore, #tpu.memory_space<semaphore_mem>>) src(%dma_wait3A_215 : memref<1000000x128xf32, #tpu.memory_space<hbm>>) dst(%dma_wait3A_210 : memref<64x128xf32, #tpu.memory_space<vmem>>)
    %add3A_216 = arith.constant 320 : i32
    %add3A_217 = arith.addi %mul3A_2, %add3A_216 : i32
    %dma_start3A_218 = arith.constant 5 : i32
    %dma_start3A_219 = arith.constant 0 : i32
    %dma_start3A_220 = arith.constant 0 : i32
    %dma_start3A_221 = tpu.memref_slice %arg6[%dma_start3A_218, %dma_start3A_219, %dma_start3A_220] : memref<8x64x128xf32, #tpu.memory_space<vmem>> -> memref<1x64x128xf32, #tpu.memory_space<vmem>>
    %dma_start3A_222 = tpu.memref_squeeze %dma_start3A_221 : memref<1x64x128xf32, #tpu.memory_space<vmem>> -> memref<64x128xf32, #tpu.memory_space<vmem>>
    %dma_start3A_223 = arith.constant 0 : i32
    %dma_start3A_224 = tpu.memref_slice %arg4[%add3A_217, %dma_start3A_223] : memref<16384x128xf32, #tpu.memory_space<hbm>> -> memref<64x128xf32, #tpu.memory_space<hbm>>
    %dma_start3A_225 = arith.constant 0 : i32
    %dma_start3A_226 = tpu.memref_slice %arg4[%add3A_217, %dma_start3A_225] : memref<16384x128xf32, #tpu.memory_space<hbm>> -> memref<64x128xf32, #tpu.memory_space<hbm>>
    %dma_start3A_227 = arith.constant 0 : i32
    %dma_start3A_228 = arith.constant 0 : i32
    %dma_start3A_229 = tpu.memref_slice %arg6[%dma_start3A_218, %dma_start3A_227, %dma_start3A_228] : memref<8x64x128xf32, #tpu.memory_space<vmem>> -> memref<1x64x128xf32, #tpu.memory_space<vmem>>
    %dma_start3A_230 = tpu.memref_squeeze %dma_start3A_229 : memref<1x64x128xf32, #tpu.memory_space<vmem>> -> memref<64x128xf32, #tpu.memory_space<vmem>>
    tpu.enqueue_dma source(%dma_start3A_230 : memref<64x128xf32, #tpu.memory_space<vmem>>) target(%dma_start3A_226 : memref<64x128xf32, #tpu.memory_space<hbm>>) target_semaphore(%arg20 : memref<!tpu.dma_semaphore, #tpu.memory_space<semaphore_mem>>)
    %dma_wait3A_231 = arith.constant 6 : i32
    %dma_wait3A_232 = arith.constant 0 : i32
    %dma_wait3A_233 = arith.constant 0 : i32
    %dma_wait3A_234 = tpu.memref_slice %arg6[%dma_wait3A_231, %dma_wait3A_232, %dma_wait3A_233] : memref<8x64x128xf32, #tpu.memory_space<vmem>> -> memref<1x64x128xf32, #tpu.memory_space<vmem>>
    %dma_wait3A_235 = tpu.memref_squeeze %dma_wait3A_234 : memref<1x64x128xf32, #tpu.memory_space<vmem>> -> memref<64x128xf32, #tpu.memory_space<vmem>>
    %dma_wait3A_236 = arith.constant 384 : i32
    %dma_wait3A_237 = tpu.memref_slice %arg5[%dma_wait3A_236] : memref<512xi32, #tpu.memory_space<vmem>> -> memref<64xi32, #tpu.memory_space<vmem>>
    %dma_wait3A_238 = arith.constant 0 : i32
    %dma_wait3A_239 = arith.constant 0 : i32
    %dma_wait3A_240 = tpu.memref_slice %arg2[%dma_wait3A_238, %dma_wait3A_239] : memref<1000000x128xf32, #tpu.memory_space<hbm>> -> memref<1000000x128xf32, #tpu.memory_space<hbm>>
    tpu.wait_indirect_dma semaphore(%arg13 : memref<!tpu.dma_semaphore, #tpu.memory_space<semaphore_mem>>) src(%dma_wait3A_240 : memref<1000000x128xf32, #tpu.memory_space<hbm>>) dst(%dma_wait3A_235 : memref<64x128xf32, #tpu.memory_space<vmem>>)
    %add3A_241 = arith.constant 384 : i32
    %add3A_242 = arith.addi %mul3A_2, %add3A_241 : i32
    %dma_start3A_243 = arith.constant 6 : i32
    %dma_start3A_244 = arith.constant 0 : i32
    %dma_start3A_245 = arith.constant 0 : i32
    %dma_start3A_246 = tpu.memref_slice %arg6[%dma_start3A_243, %dma_start3A_244, %dma_start3A_245] : memref<8x64x128xf32, #tpu.memory_space<vmem>> -> memref<1x64x128xf32, #tpu.memory_space<vmem>>
    %dma_start3A_247 = tpu.memref_squeeze %dma_start3A_246 : memref<1x64x128xf32, #tpu.memory_space<vmem>> -> memref<64x128xf32, #tpu.memory_space<vmem>>
    %dma_start3A_248 = arith.constant 0 : i32
    %dma_start3A_249 = tpu.memref_slice %arg4[%add3A_242, %dma_start3A_248] : memref<16384x128xf32, #tpu.memory_space<hbm>> -> memref<64x128xf32, #tpu.memory_space<hbm>>
    %dma_start3A_250 = arith.constant 0 : i32
    %dma_start3A_251 = tpu.memref_slice %arg4[%add3A_242, %dma_start3A_250] : memref<16384x128xf32, #tpu.memory_space<hbm>> -> memref<64x128xf32, #tpu.memory_space<hbm>>
    %dma_start3A_252 = arith.constant 0 : i32
    %dma_start3A_253 = arith.constant 0 : i32
    %dma_start3A_254 = tpu.memref_slice %arg6[%dma_start3A_243, %dma_start3A_252, %dma_start3A_253] : memref<8x64x128xf32, #tpu.memory_space<vmem>> -> memref<1x64x128xf32, #tpu.memory_space<vmem>>
    %dma_start3A_255 = tpu.memref_squeeze %dma_start3A_254 : memref<1x64x128xf32, #tpu.memory_space<vmem>> -> memref<64x128xf32, #tpu.memory_space<vmem>>
    tpu.enqueue_dma source(%dma_start3A_255 : memref<64x128xf32, #tpu.memory_space<vmem>>) target(%dma_start3A_251 : memref<64x128xf32, #tpu.memory_space<hbm>>) target_semaphore(%arg21 : memref<!tpu.dma_semaphore, #tpu.memory_space<semaphore_mem>>)
    %dma_wait3A_256 = arith.constant 7 : i32
    %dma_wait3A_257 = arith.constant 0 : i32
    %dma_wait3A_258 = arith.constant 0 : i32
    %dma_wait3A_259 = tpu.memref_slice %arg6[%dma_wait3A_256, %dma_wait3A_257, %dma_wait3A_258] : memref<8x64x128xf32, #tpu.memory_space<vmem>> -> memref<1x64x128xf32, #tpu.memory_space<vmem>>
    %dma_wait3A_260 = tpu.memref_squeeze %dma_wait3A_259 : memref<1x64x128xf32, #tpu.memory_space<vmem>> -> memref<64x128xf32, #tpu.memory_space<vmem>>
    %dma_wait3A_261 = arith.constant 448 : i32
    %dma_wait3A_262 = tpu.memref_slice %arg5[%dma_wait3A_261] : memref<512xi32, #tpu.memory_space<vmem>> -> memref<64xi32, #tpu.memory_space<vmem>>
    %dma_wait3A_263 = arith.constant 0 : i32
    %dma_wait3A_264 = arith.constant 0 : i32
    %dma_wait3A_265 = tpu.memref_slice %arg2[%dma_wait3A_263, %dma_wait3A_264] : memref<1000000x128xf32, #tpu.memory_space<hbm>> -> memref<1000000x128xf32, #tpu.memory_space<hbm>>
    tpu.wait_indirect_dma semaphore(%arg14 : memref<!tpu.dma_semaphore, #tpu.memory_space<semaphore_mem>>) src(%dma_wait3A_265 : memref<1000000x128xf32, #tpu.memory_space<hbm>>) dst(%dma_wait3A_260 : memref<64x128xf32, #tpu.memory_space<vmem>>)
    %add3A_266 = arith.constant 448 : i32
    %add3A_267 = arith.addi %mul3A_2, %add3A_266 : i32
    %dma_start3A_268 = arith.constant 7 : i32
    %dma_start3A_269 = arith.constant 0 : i32
    %dma_start3A_270 = arith.constant 0 : i32
    %dma_start3A_271 = tpu.memref_slice %arg6[%dma_start3A_268, %dma_start3A_269, %dma_start3A_270] : memref<8x64x128xf32, #tpu.memory_space<vmem>> -> memref<1x64x128xf32, #tpu.memory_space<vmem>>
    %dma_start3A_272 = tpu.memref_squeeze %dma_start3A_271 : memref<1x64x128xf32, #tpu.memory_space<vmem>> -> memref<64x128xf32, #tpu.memory_space<vmem>>
    %dma_start3A_273 = arith.constant 0 : i32
    %dma_start3A_274 = tpu.memref_slice %arg4[%add3A_267, %dma_start3A_273] : memref<16384x128xf32, #tpu.memory_space<hbm>> -> memref<64x128xf32, #tpu.memory_space<hbm>>
    %dma_start3A_275 = arith.constant 0 : i32
    %dma_start3A_276 = tpu.memref_slice %arg4[%add3A_267, %dma_start3A_275] : memref<16384x128xf32, #tpu.memory_space<hbm>> -> memref<64x128xf32, #tpu.memory_space<hbm>>
    %dma_start3A_277 = arith.constant 0 : i32
    %dma_start3A_278 = arith.constant 0 : i32
    %dma_start3A_279 = tpu.memref_slice %arg6[%dma_start3A_268, %dma_start3A_277, %dma_start3A_278] : memref<8x64x128xf32, #tpu.memory_space<vmem>> -> memref<1x64x128xf32, #tpu.memory_space<vmem>>
    %dma_start3A_280 = tpu.memref_squeeze %dma_start3A_279 : memref<1x64x128xf32, #tpu.memory_space<vmem>> -> memref<64x128xf32, #tpu.memory_space<vmem>>
    tpu.enqueue_dma source(%dma_start3A_280 : memref<64x128xf32, #tpu.memory_space<vmem>>) target(%dma_start3A_276 : memref<64x128xf32, #tpu.memory_space<hbm>>) target_semaphore(%arg22 : memref<!tpu.dma_semaphore, #tpu.memory_space<semaphore_mem>>)
    %dma_wait3A_281 = arith.constant 0 : i32
    %dma_wait3A_282 = arith.constant 0 : i32
    %dma_wait3A_283 = arith.constant 0 : i32
    %dma_wait3A_284 = tpu.memref_slice %arg6[%dma_wait3A_281, %dma_wait3A_282, %dma_wait3A_283] : memref<8x64x128xf32, #tpu.memory_space<vmem>> -> memref<1x64x128xf32, #tpu.memory_space<vmem>>
    %dma_wait3A_285 = tpu.memref_squeeze %dma_wait3A_284 : memref<1x64x128xf32, #tpu.memory_space<vmem>> -> memref<64x128xf32, #tpu.memory_space<vmem>>
    %dma_wait3A_286 = arith.constant 0 : i32
    %dma_wait3A_287 = tpu.memref_slice %arg4[%add3A_92, %dma_wait3A_286] : memref<16384x128xf32, #tpu.memory_space<hbm>> -> memref<64x128xf32, #tpu.memory_space<hbm>>
    %dma_wait3A_288 = arith.constant 0 : i32
    %dma_wait3A_289 = tpu.memref_slice %arg4[%add3A_92, %dma_wait3A_288] : memref<16384x128xf32, #tpu.memory_space<hbm>> -> memref<64x128xf32, #tpu.memory_space<hbm>>
    %dma_wait3A_290 = arith.constant 0 : i32
    %dma_wait3A_291 = arith.constant 0 : i32
    %dma_wait3A_292 = tpu.memref_slice %arg6[%dma_wait3A_281, %dma_wait3A_290, %dma_wait3A_291] : memref<8x64x128xf32, #tpu.memory_space<vmem>> -> memref<1x64x128xf32, #tpu.memory_space<vmem>>
    %dma_wait3A_293 = tpu.memref_squeeze %dma_wait3A_292 : memref<1x64x128xf32, #tpu.memory_space<vmem>> -> memref<64x128xf32, #tpu.memory_space<vmem>>
    tpu.wait_dma2 semaphore(%arg15 : memref<!tpu.dma_semaphore, #tpu.memory_space<semaphore_mem>>) src(%dma_wait3A_293 : memref<64x128xf32, #tpu.memory_space<vmem>>) dst(%dma_wait3A_289 : memref<64x128xf32, #tpu.memory_space<hbm>>)
    %dma_wait3A_294 = arith.constant 1 : i32
    %dma_wait3A_295 = arith.constant 0 : i32
    %dma_wait3A_296 = arith.constant 0 : i32
    %dma_wait3A_297 = tpu.memref_slice %arg6[%dma_wait3A_294, %dma_wait3A_295, %dma_wait3A_296] : memref<8x64x128xf32, #tpu.memory_space<vmem>> -> memref<1x64x128xf32, #tpu.memory_space<vmem>>
    %dma_wait3A_298 = tpu.memref_squeeze %dma_wait3A_297 : memref<1x64x128xf32, #tpu.memory_space<vmem>> -> memref<64x128xf32, #tpu.memory_space<vmem>>
    %dma_wait3A_299 = arith.constant 0 : i32
    %dma_wait3A_300 = tpu.memref_slice %arg4[%add3A_117, %dma_wait3A_299] : memref<16384x128xf32, #tpu.memory_space<hbm>> -> memref<64x128xf32, #tpu.memory_space<hbm>>
    %dma_wait3A_301 = arith.constant 0 : i32
    %dma_wait3A_302 = tpu.memref_slice %arg4[%add3A_117, %dma_wait3A_301] : memref<16384x128xf32, #tpu.memory_space<hbm>> -> memref<64x128xf32, #tpu.memory_space<hbm>>
    %dma_wait3A_303 = arith.constant 0 : i32
    %dma_wait3A_304 = arith.constant 0 : i32
    %dma_wait3A_305 = tpu.memref_slice %arg6[%dma_wait3A_294, %dma_wait3A_303, %dma_wait3A_304] : memref<8x64x128xf32, #tpu.memory_space<vmem>> -> memref<1x64x128xf32, #tpu.memory_space<vmem>>
    %dma_wait3A_306 = tpu.memref_squeeze %dma_wait3A_305 : memref<1x64x128xf32, #tpu.memory_space<vmem>> -> memref<64x128xf32, #tpu.memory_space<vmem>>
    tpu.wait_dma2 semaphore(%arg16 : memref<!tpu.dma_semaphore, #tpu.memory_space<semaphore_mem>>) src(%dma_wait3A_306 : memref<64x128xf32, #tpu.memory_space<vmem>>) dst(%dma_wait3A_302 : memref<64x128xf32, #tpu.memory_space<hbm>>)
    %dma_wait3A_307 = arith.constant 2 : i32
    %dma_wait3A_308 = arith.constant 0 : i32
    %dma_wait3A_309 = arith.constant 0 : i32
    %dma_wait3A_310 = tpu.memref_slice %arg6[%dma_wait3A_307, %dma_wait3A_308, %dma_wait3A_309] : memref<8x64x128xf32, #tpu.memory_space<vmem>> -> memref<1x64x128xf32, #tpu.memory_space<vmem>>
    %dma_wait3A_311 = tpu.memref_squeeze %dma_wait3A_310 : memref<1x64x128xf32, #tpu.memory_space<vmem>> -> memref<64x128xf32, #tpu.memory_space<vmem>>
    %dma_wait3A_312 = arith.constant 0 : i32
    %dma_wait3A_313 = tpu.memref_slice %arg4[%add3A_142, %dma_wait3A_312] : memref<16384x128xf32, #tpu.memory_space<hbm>> -> memref<64x128xf32, #tpu.memory_space<hbm>>
    %dma_wait3A_314 = arith.constant 0 : i32
    %dma_wait3A_315 = tpu.memref_slice %arg4[%add3A_142, %dma_wait3A_314] : memref<16384x128xf32, #tpu.memory_space<hbm>> -> memref<64x128xf32, #tpu.memory_space<hbm>>
    %dma_wait3A_316 = arith.constant 0 : i32
    %dma_wait3A_317 = arith.constant 0 : i32
    %dma_wait3A_318 = tpu.memref_slice %arg6[%dma_wait3A_307, %dma_wait3A_316, %dma_wait3A_317] : memref<8x64x128xf32, #tpu.memory_space<vmem>> -> memref<1x64x128xf32, #tpu.memory_space<vmem>>
    %dma_wait3A_319 = tpu.memref_squeeze %dma_wait3A_318 : memref<1x64x128xf32, #tpu.memory_space<vmem>> -> memref<64x128xf32, #tpu.memory_space<vmem>>
    tpu.wait_dma2 semaphore(%arg17 : memref<!tpu.dma_semaphore, #tpu.memory_space<semaphore_mem>>) src(%dma_wait3A_319 : memref<64x128xf32, #tpu.memory_space<vmem>>) dst(%dma_wait3A_315 : memref<64x128xf32, #tpu.memory_space<hbm>>)
    %dma_wait3A_320 = arith.constant 3 : i32
    %dma_wait3A_321 = arith.constant 0 : i32
    %dma_wait3A_322 = arith.constant 0 : i32
    %dma_wait3A_323 = tpu.memref_slice %arg6[%dma_wait3A_320, %dma_wait3A_321, %dma_wait3A_322] : memref<8x64x128xf32, #tpu.memory_space<vmem>> -> memref<1x64x128xf32, #tpu.memory_space<vmem>>
    %dma_wait3A_324 = tpu.memref_squeeze %dma_wait3A_323 : memref<1x64x128xf32, #tpu.memory_space<vmem>> -> memref<64x128xf32, #tpu.memory_space<vmem>>
    %dma_wait3A_325 = arith.constant 0 : i32
    %dma_wait3A_326 = tpu.memref_slice %arg4[%add3A_167, %dma_wait3A_325] : memref<16384x128xf32, #tpu.memory_space<hbm>> -> memref<64x128xf32, #tpu.memory_space<hbm>>
    %dma_wait3A_327 = arith.constant 0 : i32
    %dma_wait3A_328 = tpu.memref_slice %arg4[%add3A_167, %dma_wait3A_327] : memref<16384x128xf32, #tpu.memory_space<hbm>> -> memref<64x128xf32, #tpu.memory_space<hbm>>
    %dma_wait3A_329 = arith.constant 0 : i32
    %dma_wait3A_330 = arith.constant 0 : i32
    %dma_wait3A_331 = tpu.memref_slice %arg6[%dma_wait3A_320, %dma_wait3A_329, %dma_wait3A_330] : memref<8x64x128xf32, #tpu.memory_space<vmem>> -> memref<1x64x128xf32, #tpu.memory_space<vmem>>
    %dma_wait3A_332 = tpu.memref_squeeze %dma_wait3A_331 : memref<1x64x128xf32, #tpu.memory_space<vmem>> -> memref<64x128xf32, #tpu.memory_space<vmem>>
    tpu.wait_dma2 semaphore(%arg18 : memref<!tpu.dma_semaphore, #tpu.memory_space<semaphore_mem>>) src(%dma_wait3A_332 : memref<64x128xf32, #tpu.memory_space<vmem>>) dst(%dma_wait3A_328 : memref<64x128xf32, #tpu.memory_space<hbm>>)
    %dma_wait3A_333 = arith.constant 4 : i32
    %dma_wait3A_334 = arith.constant 0 : i32
    %dma_wait3A_335 = arith.constant 0 : i32
    %dma_wait3A_336 = tpu.memref_slice %arg6[%dma_wait3A_333, %dma_wait3A_334, %dma_wait3A_335] : memref<8x64x128xf32, #tpu.memory_space<vmem>> -> memref<1x64x128xf32, #tpu.memory_space<vmem>>
    %dma_wait3A_337 = tpu.memref_squeeze %dma_wait3A_336 : memref<1x64x128xf32, #tpu.memory_space<vmem>> -> memref<64x128xf32, #tpu.memory_space<vmem>>
    %dma_wait3A_338 = arith.constant 0 : i32
    %dma_wait3A_339 = tpu.memref_slice %arg4[%add3A_192, %dma_wait3A_338] : memref<16384x128xf32, #tpu.memory_space<hbm>> -> memref<64x128xf32, #tpu.memory_space<hbm>>
    %dma_wait3A_340 = arith.constant 0 : i32
    %dma_wait3A_341 = tpu.memref_slice %arg4[%add3A_192, %dma_wait3A_340] : memref<16384x128xf32, #tpu.memory_space<hbm>> -> memref<64x128xf32, #tpu.memory_space<hbm>>
    %dma_wait3A_342 = arith.constant 0 : i32
    %dma_wait3A_343 = arith.constant 0 : i32
    %dma_wait3A_344 = tpu.memref_slice %arg6[%dma_wait3A_333, %dma_wait3A_342, %dma_wait3A_343] : memref<8x64x128xf32, #tpu.memory_space<vmem>> -> memref<1x64x128xf32, #tpu.memory_space<vmem>>
    %dma_wait3A_345 = tpu.memref_squeeze %dma_wait3A_344 : memref<1x64x128xf32, #tpu.memory_space<vmem>> -> memref<64x128xf32, #tpu.memory_space<vmem>>
    tpu.wait_dma2 semaphore(%arg19 : memref<!tpu.dma_semaphore, #tpu.memory_space<semaphore_mem>>) src(%dma_wait3A_345 : memref<64x128xf32, #tpu.memory_space<vmem>>) dst(%dma_wait3A_341 : memref<64x128xf32, #tpu.memory_space<hbm>>)
    %dma_wait3A_346 = arith.constant 5 : i32
    %dma_wait3A_347 = arith.constant 0 : i32
    %dma_wait3A_348 = arith.constant 0 : i32
    %dma_wait3A_349 = tpu.memref_slice %arg6[%dma_wait3A_346, %dma_wait3A_347, %dma_wait3A_348] : memref<8x64x128xf32, #tpu.memory_space<vmem>> -> memref<1x64x128xf32, #tpu.memory_space<vmem>>
    %dma_wait3A_350 = tpu.memref_squeeze %dma_wait3A_349 : memref<1x64x128xf32, #tpu.memory_space<vmem>> -> memref<64x128xf32, #tpu.memory_space<vmem>>
    %dma_wait3A_351 = arith.constant 0 : i32
    %dma_wait3A_352 = tpu.memref_slice %arg4[%add3A_217, %dma_wait3A_351] : memref<16384x128xf32, #tpu.memory_space<hbm>> -> memref<64x128xf32, #tpu.memory_space<hbm>>
    %dma_wait3A_353 = arith.constant 0 : i32
    %dma_wait3A_354 = tpu.memref_slice %arg4[%add3A_217, %dma_wait3A_353] : memref<16384x128xf32, #tpu.memory_space<hbm>> -> memref<64x128xf32, #tpu.memory_space<hbm>>
    %dma_wait3A_355 = arith.constant 0 : i32
    %dma_wait3A_356 = arith.constant 0 : i32
    %dma_wait3A_357 = tpu.memref_slice %arg6[%dma_wait3A_346, %dma_wait3A_355, %dma_wait3A_356] : memref<8x64x128xf32, #tpu.memory_space<vmem>> -> memref<1x64x128xf32, #tpu.memory_space<vmem>>
    %dma_wait3A_358 = tpu.memref_squeeze %dma_wait3A_357 : memref<1x64x128xf32, #tpu.memory_space<vmem>> -> memref<64x128xf32, #tpu.memory_space<vmem>>
    tpu.wait_dma2 semaphore(%arg20 : memref<!tpu.dma_semaphore, #tpu.memory_space<semaphore_mem>>) src(%dma_wait3A_358 : memref<64x128xf32, #tpu.memory_space<vmem>>) dst(%dma_wait3A_354 : memref<64x128xf32, #tpu.memory_space<hbm>>)
    %dma_wait3A_359 = arith.constant 6 : i32
    %dma_wait3A_360 = arith.constant 0 : i32
    %dma_wait3A_361 = arith.constant 0 : i32
    %dma_wait3A_362 = tpu.memref_slice %arg6[%dma_wait3A_359, %dma_wait3A_360, %dma_wait3A_361] : memref<8x64x128xf32, #tpu.memory_space<vmem>> -> memref<1x64x128xf32, #tpu.memory_space<vmem>>
    %dma_wait3A_363 = tpu.memref_squeeze %dma_wait3A_362 : memref<1x64x128xf32, #tpu.memory_space<vmem>> -> memref<64x128xf32, #tpu.memory_space<vmem>>
    %dma_wait3A_364 = arith.constant 0 : i32
    %dma_wait3A_365 = tpu.memref_slice %arg4[%add3A_242, %dma_wait3A_364] : memref<16384x128xf32, #tpu.memory_space<hbm>> -> memref<64x128xf32, #tpu.memory_space<hbm>>
    %dma_wait3A_366 = arith.constant 0 : i32
    %dma_wait3A_367 = tpu.memref_slice %arg4[%add3A_242, %dma_wait3A_366] : memref<16384x128xf32, #tpu.memory_space<hbm>> -> memref<64x128xf32, #tpu.memory_space<hbm>>
    %dma_wait3A_368 = arith.constant 0 : i32
    %dma_wait3A_369 = arith.constant 0 : i32
    %dma_wait3A_370 = tpu.memref_slice %arg6[%dma_wait3A_359, %dma_wait3A_368, %dma_wait3A_369] : memref<8x64x128xf32, #tpu.memory_space<vmem>> -> memref<1x64x128xf32, #tpu.memory_space<vmem>>
    %dma_wait3A_371 = tpu.memref_squeeze %dma_wait3A_370 : memref<1x64x128xf32, #tpu.memory_space<vmem>> -> memref<64x128xf32, #tpu.memory_space<vmem>>
    tpu.wait_dma2 semaphore(%arg21 : memref<!tpu.dma_semaphore, #tpu.memory_space<semaphore_mem>>) src(%dma_wait3A_371 : memref<64x128xf32, #tpu.memory_space<vmem>>) dst(%dma_wait3A_367 : memref<64x128xf32, #tpu.memory_space<hbm>>)
    %dma_wait3A_372 = arith.constant 7 : i32
    %dma_wait3A_373 = arith.constant 0 : i32
    %dma_wait3A_374 = arith.constant 0 : i32
    %dma_wait3A_375 = tpu.memref_slice %arg6[%dma_wait3A_372, %dma_wait3A_373, %dma_wait3A_374] : memref<8x64x128xf32, #tpu.memory_space<vmem>> -> memref<1x64x128xf32, #tpu.memory_space<vmem>>
    %dma_wait3A_376 = tpu.memref_squeeze %dma_wait3A_375 : memref<1x64x128xf32, #tpu.memory_space<vmem>> -> memref<64x128xf32, #tpu.memory_space<vmem>>
    %dma_wait3A_377 = arith.constant 0 : i32
    %dma_wait3A_378 = tpu.memref_slice %arg4[%add3A_267, %dma_wait3A_377] : memref<16384x128xf32, #tpu.memory_space<hbm>> -> memref<64x128xf32, #tpu.memory_space<hbm>>
    %dma_wait3A_379 = arith.constant 0 : i32
    %dma_wait3A_380 = tpu.memref_slice %arg4[%add3A_267, %dma_wait3A_379] : memref<16384x128xf32, #tpu.memory_space<hbm>> -> memref<64x128xf32, #tpu.memory_space<hbm>>
    %dma_wait3A_381 = arith.constant 0 : i32
    %dma_wait3A_382 = arith.constant 0 : i32
    %dma_wait3A_383 = tpu.memref_slice %arg6[%dma_wait3A_372, %dma_wait3A_381, %dma_wait3A_382] : memref<8x64x128xf32, #tpu.memory_space<vmem>> -> memref<1x64x128xf32, #tpu.memory_space<vmem>>
    %dma_wait3A_384 = tpu.memref_squeeze %dma_wait3A_383 : memref<1x64x128xf32, #tpu.memory_space<vmem>> -> memref<64x128xf32, #tpu.memory_space<vmem>>
    tpu.wait_dma2 semaphore(%arg22 : memref<!tpu.dma_semaphore, #tpu.memory_space<semaphore_mem>>) src(%dma_wait3A_384 : memref<64x128xf32, #tpu.memory_space<vmem>>) dst(%dma_wait3A_380 : memref<64x128xf32, #tpu.memory_space<hbm>>)
    return
  }
}

module attributes {stable_mosaic.version = 14 : i64} {
  func.func @body(%arg0: i32, %arg1: memref<16384x128xf32, #tpu.memory_space<hbm>>, %arg2: memref<64x8192xf32, #tpu.memory_space<vmem>>, %arg3: memref<64x8192xf32, #tpu.memory_space<vmem>>, %arg4: memref<2x8192x128xf32, #tpu.memory_space<vmem>>, %arg5: memref<2x!tpu.dma_semaphore, #tpu.memory_space<semaphore_mem>>) attributes {dimension_semantics = [#tpu.dimension_semantics<arbitrary>], iteration_bounds = array<i64: 2>, scalar_prefetch = 0 : i64, scratch_operands = 2 : i64, tpu.core_type = #tpu.core_type<tc>, window_params = [{}, {transform_indices = @transform_1, window_bounds = array<i64: 64, 8192>}, {transform_indices = @transform_2, window_bounds = array<i64: 64, 8192>}]} {
    %eq3A = arith.constant 0 : i32
    %eq3A_0 = arith.cmpi eq, %arg0, %eq3A : i32
    %convert_element_type3A = arith.extui %eq3A_0 : i1 to i32
    %cond3A = arith.constant 0 : i32
    %cond3A_1 = arith.cmpi ne, %convert_element_type3A, %cond3A : i32
    scf.if %cond3A_1 {
      %dma_start3A = arith.constant 0 : i32
      %dma_start3A_75 = arith.constant 0 : i32
      %dma_start3A_76 = tpu.memref_slice %arg5[%dma_start3A_75] : memref<2x!tpu.dma_semaphore, #tpu.memory_space<semaphore_mem>> -> memref<1x!tpu.dma_semaphore, #tpu.memory_space<semaphore_mem>>
      %dma_start3A_77 = tpu.memref_squeeze %dma_start3A_76 : memref<1x!tpu.dma_semaphore, #tpu.memory_space<semaphore_mem>> -> memref<!tpu.dma_semaphore, #tpu.memory_space<semaphore_mem>>
      %dma_start3A_78 = arith.constant 0 : i32
      %dma_start3A_79 = arith.constant 0 : i32
      %dma_start3A_80 = tpu.memref_slice %arg4[%dma_start3A, %dma_start3A_78, %dma_start3A_79] : memref<2x8192x128xf32, #tpu.memory_space<vmem>> -> memref<1x8192x128xf32, #tpu.memory_space<vmem>>
      %dma_start3A_81 = tpu.memref_squeeze %dma_start3A_80 : memref<1x8192x128xf32, #tpu.memory_space<vmem>> -> memref<8192x128xf32, #tpu.memory_space<vmem>>
      %dma_start3A_82 = arith.constant 0 : i32
      %dma_start3A_83 = arith.constant 0 : i32
      %dma_start3A_84 = tpu.memref_slice %arg1[%dma_start3A_82, %dma_start3A_83] : memref<16384x128xf32, #tpu.memory_space<hbm>> -> memref<8192x128xf32, #tpu.memory_space<hbm>>
      tpu.enqueue_dma source(%dma_start3A_84 : memref<8192x128xf32, #tpu.memory_space<hbm>>) target(%dma_start3A_81 : memref<8192x128xf32, #tpu.memory_space<vmem>>) target_semaphore(%dma_start3A_77 : memref<!tpu.dma_semaphore, #tpu.memory_space<semaphore_mem>>)
    } else {
    }
    %add3A = arith.constant 1 : i32
    %add3A_2 = arith.addi %arg0, %add3A : i32
    %lt3A = arith.constant 2 : i32
    %lt3A_3 = arith.cmpi slt, %add3A_2, %lt3A : i32
    %convert_element_type3A_4 = arith.extui %lt3A_3 : i1 to i32
    %cond3A_5 = arith.constant 0 : i32
    %cond3A_6 = arith.cmpi ne, %convert_element_type3A_4, %cond3A_5 : i32
    scf.if %cond3A_6 {
      %add3A_75 = arith.constant 1 : i32
      %add3A_76 = arith.addi %arg0, %add3A_75 : i32
      %mul3A_77 = arith.constant 8192 : i32
      %mul3A_78 = arith.muli %add3A_76, %mul3A_77 : i32
      %add3A_79 = arith.constant 1 : i32
      %add3A_80 = arith.addi %arg0, %add3A_79 : i32
      %jit3A_81 = arith.constant 2 : i32
      %eq3A_82 = arith.constant 0 : i32
      %eq3A_83 = arith.cmpi eq, %jit3A_81, %eq3A_82 : i32
      %jit3A_84 = arith.constant 1 : i32
      %select_n3A_85 = arith.select %eq3A_83, %jit3A_84, %jit3A_81 : i32
      %rem3A_86 = arith.remsi %add3A_80, %select_n3A_85 : i32
      %ne3A_87 = arith.constant 0 : i32
      %ne3A_88 = arith.cmpi ne, %rem3A_86, %ne3A_87 : i32
      %lt3A_89 = arith.constant 0 : i32
      %lt3A_90 = arith.cmpi slt, %rem3A_86, %lt3A_89 : i32
      %lt3A_91 = arith.constant 0 : i32
      %lt3A_92 = arith.cmpi slt, %select_n3A_85, %lt3A_91 : i32
      %ne3A_93 = arith.xori %lt3A_90, %lt3A_92 : i1
      %and3A_94 = arith.andi %ne3A_93, %ne3A_88 : i1
      %add3A_95 = arith.addi %rem3A_86, %select_n3A_85 : i32
      %select_n3A_96 = arith.select %and3A_94, %add3A_95, %rem3A_86 : i32
      %add3A_97 = arith.constant 1 : i32
      %add3A_98 = arith.addi %arg0, %add3A_97 : i32
      %jit3A_99 = arith.constant 2 : i32
      %eq3A_100 = arith.constant 0 : i32
      %eq3A_101 = arith.cmpi eq, %jit3A_99, %eq3A_100 : i32
      %jit3A_102 = arith.constant 1 : i32
      %select_n3A_103 = arith.select %eq3A_101, %jit3A_102, %jit3A_99 : i32
      %rem3A_104 = arith.remsi %add3A_98, %select_n3A_103 : i32
      %ne3A_105 = arith.constant 0 : i32
      %ne3A_106 = arith.cmpi ne, %rem3A_104, %ne3A_105 : i32
      %lt3A_107 = arith.constant 0 : i32
      %lt3A_108 = arith.cmpi slt, %rem3A_104, %lt3A_107 : i32
      %lt3A_109 = arith.constant 0 : i32
      %lt3A_110 = arith.cmpi slt, %select_n3A_103, %lt3A_109 : i32
      %ne3A_111 = arith.xori %lt3A_108, %lt3A_110 : i1
      %and3A_112 = arith.andi %ne3A_111, %ne3A_106 : i1
      %add3A_113 = arith.addi %rem3A_104, %select_n3A_103 : i32
      %select_n3A_114 = arith.select %and3A_112, %add3A_113, %rem3A_104 : i32
      %dma_start3A = tpu.memref_slice %arg5[%select_n3A_114] : memref<2x!tpu.dma_semaphore, #tpu.memory_space<semaphore_mem>> -> memref<1x!tpu.dma_semaphore, #tpu.memory_space<semaphore_mem>>
      %dma_start3A_115 = tpu.memref_squeeze %dma_start3A : memref<1x!tpu.dma_semaphore, #tpu.memory_space<semaphore_mem>> -> memref<!tpu.dma_semaphore, #tpu.memory_space<semaphore_mem>>
      %dma_start3A_116 = arith.constant 0 : i32
      %dma_start3A_117 = arith.constant 0 : i32
      %dma_start3A_118 = tpu.memref_slice %arg4[%select_n3A_96, %dma_start3A_116, %dma_start3A_117] : memref<2x8192x128xf32, #tpu.memory_space<vmem>> -> memref<1x8192x128xf32, #tpu.memory_space<vmem>>
      %dma_start3A_119 = tpu.memref_squeeze %dma_start3A_118 : memref<1x8192x128xf32, #tpu.memory_space<vmem>> -> memref<8192x128xf32, #tpu.memory_space<vmem>>
      %dma_start3A_120 = arith.constant 0 : i32
      %dma_start3A_121 = tpu.memref_slice %arg1[%mul3A_78, %dma_start3A_120] : memref<16384x128xf32, #tpu.memory_space<hbm>> -> memref<8192x128xf32, #tpu.memory_space<hbm>>
      tpu.enqueue_dma source(%dma_start3A_121 : memref<8192x128xf32, #tpu.memory_space<hbm>>) target(%dma_start3A_119 : memref<8192x128xf32, #tpu.memory_space<vmem>>) target_semaphore(%dma_start3A_115 : memref<!tpu.dma_semaphore, #tpu.memory_space<semaphore_mem>>)
    } else {
    }
    %mul3A = arith.constant 8192 : i32
    %mul3A_7 = arith.muli %arg0, %mul3A : i32
    %jit3A = arith.constant 2 : i32
    %eq3A_8 = arith.constant 0 : i32
    %eq3A_9 = arith.cmpi eq, %jit3A, %eq3A_8 : i32
    %jit3A_10 = arith.constant 1 : i32
    %select_n3A = arith.select %eq3A_9, %jit3A_10, %jit3A : i32
    %rem3A = arith.remsi %arg0, %select_n3A : i32
    %ne3A = arith.constant 0 : i32
    %ne3A_11 = arith.cmpi ne, %rem3A, %ne3A : i32
    %lt3A_12 = arith.constant 0 : i32
    %lt3A_13 = arith.cmpi slt, %rem3A, %lt3A_12 : i32
    %lt3A_14 = arith.constant 0 : i32
    %lt3A_15 = arith.cmpi slt, %select_n3A, %lt3A_14 : i32
    %ne3A_16 = arith.xori %lt3A_13, %lt3A_15 : i1
    %and3A = arith.andi %ne3A_16, %ne3A_11 : i1
    %add3A_17 = arith.addi %rem3A, %select_n3A : i32
    %select_n3A_18 = arith.select %and3A, %add3A_17, %rem3A : i32
    %jit3A_19 = arith.constant 2 : i32
    %eq3A_20 = arith.constant 0 : i32
    %eq3A_21 = arith.cmpi eq, %jit3A_19, %eq3A_20 : i32
    %jit3A_22 = arith.constant 1 : i32
    %select_n3A_23 = arith.select %eq3A_21, %jit3A_22, %jit3A_19 : i32
    %rem3A_24 = arith.remsi %arg0, %select_n3A_23 : i32
    %ne3A_25 = arith.constant 0 : i32
    %ne3A_26 = arith.cmpi ne, %rem3A_24, %ne3A_25 : i32
    %lt3A_27 = arith.constant 0 : i32
    %lt3A_28 = arith.cmpi slt, %rem3A_24, %lt3A_27 : i32
    %lt3A_29 = arith.constant 0 : i32
    %lt3A_30 = arith.cmpi slt, %select_n3A_23, %lt3A_29 : i32
    %ne3A_31 = arith.xori %lt3A_28, %lt3A_30 : i1
    %and3A_32 = arith.andi %ne3A_31, %ne3A_26 : i1
    %add3A_33 = arith.addi %rem3A_24, %select_n3A_23 : i32
    %select_n3A_34 = arith.select %and3A_32, %add3A_33, %rem3A_24 : i32
    %dma_wait3A = tpu.memref_slice %arg5[%select_n3A_34] : memref<2x!tpu.dma_semaphore, #tpu.memory_space<semaphore_mem>> -> memref<1x!tpu.dma_semaphore, #tpu.memory_space<semaphore_mem>>
    %dma_wait3A_35 = tpu.memref_squeeze %dma_wait3A : memref<1x!tpu.dma_semaphore, #tpu.memory_space<semaphore_mem>> -> memref<!tpu.dma_semaphore, #tpu.memory_space<semaphore_mem>>
    %dma_wait3A_36 = arith.constant 0 : i32
    %dma_wait3A_37 = arith.constant 0 : i32
    %dma_wait3A_38 = tpu.memref_slice %arg4[%select_n3A_18, %dma_wait3A_36, %dma_wait3A_37] : memref<2x8192x128xf32, #tpu.memory_space<vmem>> -> memref<1x8192x128xf32, #tpu.memory_space<vmem>>
    %dma_wait3A_39 = tpu.memref_squeeze %dma_wait3A_38 : memref<1x8192x128xf32, #tpu.memory_space<vmem>> -> memref<8192x128xf32, #tpu.memory_space<vmem>>
    %dma_wait3A_40 = arith.constant 0 : i32
    %dma_wait3A_41 = tpu.memref_slice %arg1[%mul3A_7, %dma_wait3A_40] : memref<16384x128xf32, #tpu.memory_space<hbm>> -> memref<8192x128xf32, #tpu.memory_space<hbm>>
    tpu.wait_dma2 semaphore(%dma_wait3A_35 : memref<!tpu.dma_semaphore, #tpu.memory_space<semaphore_mem>>) src(%dma_wait3A_41 : memref<8192x128xf32, #tpu.memory_space<hbm>>) dst(%dma_wait3A_39 : memref<8192x128xf32, #tpu.memory_space<vmem>>)
    %jit3A_42 = arith.constant 2 : i32
    %eq3A_43 = arith.constant 0 : i32
    %eq3A_44 = arith.cmpi eq, %jit3A_42, %eq3A_43 : i32
    %jit3A_45 = arith.constant 1 : i32
    %select_n3A_46 = arith.select %eq3A_44, %jit3A_45, %jit3A_42 : i32
    %rem3A_47 = arith.remsi %arg0, %select_n3A_46 : i32
    %ne3A_48 = arith.constant 0 : i32
    %ne3A_49 = arith.cmpi ne, %rem3A_47, %ne3A_48 : i32
    %lt3A_50 = arith.constant 0 : i32
    %lt3A_51 = arith.cmpi slt, %rem3A_47, %lt3A_50 : i32
    %lt3A_52 = arith.constant 0 : i32
    %lt3A_53 = arith.cmpi slt, %select_n3A_46, %lt3A_52 : i32
    %ne3A_54 = arith.xori %lt3A_51, %lt3A_53 : i1
    %and3A_55 = arith.andi %ne3A_54, %ne3A_49 : i1
    %add3A_56 = arith.addi %rem3A_47, %select_n3A_46 : i32
    %select_n3A_57 = arith.select %and3A_55, %add3A_56, %rem3A_47 : i32
    %get3A = arith.index_cast %select_n3A_57 : i32 to index
    %get3A_58 = arith.constant 0 : index
    %get3A_59 = arith.constant 0 : index
    %get3A_60 = vector.load %arg4[%get3A, %get3A_58, %get3A_59] : memref<2x8192x128xf32, #tpu.memory_space<vmem>>, vector<1x8192x128xf32>
    %get3A_61 = vector.shape_cast %get3A_60 : vector<1x8192x128xf32> to vector<8192x128xf32>
    %iota3A = tpu.iota {dimensions = array<i32: 0>} : vector<64x64xi32>
    %iota3A_62 = tpu.iota {dimensions = array<i32: 1>} : vector<64x64xi32>
    %eq3A_63 = arith.cmpi eq, %iota3A, %iota3A_62 : vector<64x64xi32>
    %convert_element_type3A_64 = arith.extui %eq3A_63 : vector<64x64xi1> to vector<64x64xi32>
    %convert_element_type3A_65 = arith.sitofp %convert_element_type3A_64 : vector<64x64xi32> to vector<64x64xf32>
    %slice3A = vector.extract_strided_slice %get3A_61 {offsets = [0, 0], sizes = [8192, 64], strides = [1, 1]} : vector<8192x128xf32> to vector<8192x64xf32>
    %dot_general3A = arith.constant dense<0.000000e+00> : vector<64x8192xf32>
    %dot_general3A_66 = tpu.matmul %convert_element_type3A_65, %slice3A, %dot_general3A {dimension_numbers = #tpu.dot_dimension_numbers<[1], [1], [0], [0], [0, 0, 1, 0], [], []>, transpose_lhs_hint = false} : vector<64x64xf32>, vector<8192x64xf32>, vector<64x8192xf32> -> vector<64x8192xf32>
    %slice3A_67 = vector.extract_strided_slice %get3A_61 {offsets = [0, 64], sizes = [8192, 64], strides = [1, 1]} : vector<8192x128xf32> to vector<8192x64xf32>
    %dot_general3A_68 = arith.constant dense<0.000000e+00> : vector<64x8192xf32>
    %dot_general3A_69 = tpu.matmul %convert_element_type3A_65, %slice3A_67, %dot_general3A_68 {dimension_numbers = #tpu.dot_dimension_numbers<[1], [1], [0], [0], [0, 0, 1, 0], [], []>, transpose_lhs_hint = false} : vector<64x64xf32>, vector<8192x64xf32>, vector<64x8192xf32> -> vector<64x8192xf32>
    %swap3A = arith.constant 0 : index
    %swap3A_70 = arith.constant 0 : index
    %swap3A_71 = vector.load %arg3[%swap3A, %swap3A_70] : memref<64x8192xf32, #tpu.memory_space<vmem>>, vector<64x8192xf32>
    tpu.vector_store %arg3[%swap3A, %swap3A_70], %dot_general3A_66 {strides = array<i32>} : memref<64x8192xf32, #tpu.memory_space<vmem>>, vector<64x8192xf32>,
    %div3A = arith.divf %dot_general3A_66, %dot_general3A_69 : vector<64x8192xf32>
    %swap3A_72 = arith.constant 0 : index
    %swap3A_73 = arith.constant 0 : index
    %swap3A_74 = vector.load %arg2[%swap3A_72, %swap3A_73] : memref<64x8192xf32, #tpu.memory_space<vmem>>, vector<64x8192xf32>
    tpu.vector_store %arg2[%swap3A_72, %swap3A_73], %div3A {strides = array<i32>} : memref<64x8192xf32, #tpu.memory_space<vmem>>, vector<64x8192xf32>,
    return
  }
  func.func @transform_1(%arg0: i32) -> (i32, i32) {
    %c0_i32 = arith.constant 0 : i32
    %c0_i32_0 = arith.constant 0 : i32
    return %c0_i32, %arg0 : i32, i32
  }
  func.func @transform_2(%arg0: i32) -> (i32, i32) {
    %c0_i32 = arith.constant 0 : i32
    %c0_i32_0 = arith.constant 0 : i32
    return %c0_i32, %arg0 : i32, i32
  }
}

</mosaic_0001>

<sc_bundles>
// kernel: kernel.4.cloned.1.call-start
scs
__scs_entry_jumppad:
0x0: {  	(pc) =	sbr.rel $0x88, $3  }
0x1: {  	(tag) =	ssettag $0x0;
	lr =	simm.s32 $0x1  }
0x2: {  	[smem:$0x3F9F] =	sst lr;
	_ =	strace $0xD0000000  }
0x3: {  	_ = 	snop  }
0x4: {  	_ = 	snop  }
0x5: {  	_ = 	snop  }
0x6: {  	_ = 	snop  }
0x7: {  	_ = 	snop  }
__scs_overlays_trampoline_lowered:
0x8: {  	[smem:$0x3FAE] =	sst s0  }
0x9: {  	[smem:$0x3FAF] =	sst s1  }
0xa: {  	[smem:$0x3FB0] =	sst s2  }
0xb: {  	[smem:$0x3FB1] =	sst s3  }
0xc: {  	[smem:$0x3FB2] =	sst s4  }
0xd: {  	[smem:$0x3FB3] =	sst s5  }
0xe: {  	[smem:$0x3FB4] =	sst s6  }
0xf: {  	[smem:$0x3FB5] =	sst s7  }
0x10: {  	[smem:$0x3FB6] =	sst s8  }
0x11: {  	[smem:$0x3FB7] =	sst s9;
	s0 =	simm.s32 @!p0 $0x0  }
0x12: {  	s1 =	sld [smem:$0x3F9D];
	s0 =	simm.s32 @p0 $0x1  }
0x13: {  	[smem:$0x3FB8] =	sst s0;
	s0 =	simm.s32 @!p1 $0x0  }
0x14: {  	s2 =	sld [smem:$0x3F9C];
	s0 =	simm.s32 @p1 $0x1  }
0x15: {  	[smem:$0x3FB9] =	sst s0;
	s0 =	simm.s32 @!p2 $0x0  }
0x16: {  	s3 =	sld [smem:$0x3FDB];
	s0 =	simm.s32 @p2 $0x1  }
0x17: {  	s4 =	simm.s32 $0x1BF5;
	[smem:$0x3FBB] =	sst s0  }
0x18: {  	s0 =	sld [smem:$0x3F9E];
	_ =	swait.ge [sflag:s4], $0x0  }
0x19: {  	s7 =	sld [smem:$0x3F9F]  }
0x1a: {  	s8 =	sadd.s32 $0xFFFFE003, lr  }
0x1b: {  	s9 =	sadd.s32 $0xFFFFFEF7, lr;
	s5 =	simm.s32 $0xFFFFFFFF;
	p2 =	slt.u32 s8, $0xFFFFF086  }
0x1c: {  	p1 =	slt.u32 s9, $0xF7A;
	s5 =	simm.s32 @!p2 $0x0  }
0x1d: {  	s5 =	simm.s32 @p1 $0x1;
	p0 =	seq.s32 s7, s2  }
0x1e: {  	s7 =	smul.u32 @!p0 $0xF7A, s2;
	p2 =	seq.s32 @!p0 s5, $0x0  }
0x1f: {  	s9 =	smul.u32 $0xF7A, s1;
	s8 =	simm.s32 @!p0 $0x1BF5;
	p2 =	por !p2, p0  }
0x20: {  	[sflag:s8] =	ssyncset.s32 @!p0 $0xFFFFF086;
	s6 =	sadd.s32 @!p0 s3, s7;
	s7 =	simm.s32 @!p0 $0x108  }
0x21: {  	s3 =	sadd.s32 s3, s9;
	s6 =	sadd.s32 @!p0 $0x88, s6;
	s7 =	simm.s32 @p2 $0x1082  }
0x22: {  	[simem:s7], [sflag:s8] =	dma.local @!p0 [hbm:s6], $0xF7A  }
0x23: {  	s9 =	sor.u32 $0xD0000000, s2;
	s6 =	simm.s32 $0x108;
	_ =	swait.ge @!p0 [sflag:s8], $0x0  }
0x24: {  	s3 =	sadd.s32 $0x88, s3;
	s6 =	simm.s32 @!p1 $0x1082;
	[sflag:s4] =	ssyncset.s32 $0xFFFFF086  }
0x25: {  	[simem:s6], [sflag:s4] =	dma.local [hbm:s3], $0xF7A  }
0x26: {  	[smem:$0x3F9F] =	sst s1;
	(tag) =	ssettag s2;
	_ =	strace s9  }
0x27: {  	s1 =	sld [smem:$0x3FAF]  }
0x28: {  	s2 =	sld [smem:$0x3FB0]  }
0x29: {  	s4 =	sld [smem:$0x3FB2]  }
0x2a: {  	p0 =	seq.s32 s5, $0x0;
	s5 =	sld [smem:$0x3FB3]  }
0x2b: {  	s6 =	sld [smem:$0x3FB4]  }
0x2c: {  	s7 =	sld [smem:$0x3FB5]  }
0x2d: {  	s3 =	simm.s32 $0x108;
	s8 =	sld [smem:$0x3FB6]  }
0x2e: {  	s3 =	simm.s32 @!p0 $0x1082;
	s9 =	sld [smem:$0x3FB7]  }
0x2f: {  	lr =	sadd.s32 s0, s3;
	s0 =	sld [smem:$0x3FAE]  }
0x30: {  	s3 =	sld [smem:$0x3FB1]  }
0x31: {  	[smem:$0x3FBA] =	sst s10  }
0x32: {  	s10 =	sld [smem:$0x3FB8];
	_ =	sdelay $0x3  }
0x33: {  	p0 =	seq.s32 s10, $0x1;
	s10 =	sld [smem:$0x3FBA];
	_ =	sdelay $0x3  }
0x34: {  	[smem:$0x3FBA] =	sst s10  }
0x35: {  	s10 =	sld [smem:$0x3FB9];
	_ =	sdelay $0x3  }
0x36: {  	p1 =	seq.s32 s10, $0x1;
	s10 =	sld [smem:$0x3FBA];
	_ =	sdelay $0x3  }
0x37: {  	[smem:$0x3FBA] =	sst s10  }
0x38: {  	s10 =	sld [smem:$0x3FBB]  }
0x39: {  	_ = 	snop;
	(pc) =	sbr.ind lr, $3  }
0x3a: {  	_ = 	snop  }
0x3b: {  	_ = 	snop  }
0x3c: {  	p2 =	seq.s32 s10, $0x1;
	s10 =	sld [smem:$0x3FBA]  }
0x3d: {  	_ =	shalt  }
0x3e: {  	_ =	shalt  }
0x3f: {  	_ =	shalt  }
0x40: {  	_ =	shalt  }
0x41: {  	_ =	shalt  }
0x42: {  	_ =	shalt  }
0x43: {  	_ =	shalt  }
0x44: {  	_ =	shalt  }
0x45: {  	_ =	shalt  }
0x46: {  	_ =	shalt  }
0x47: {  	_ =	shalt  }
0x48: {  	_ =	shalt  }
0x49: {  	_ =	shalt  }
0x4a: {  	_ =	shalt  }
0x4b: {  	_ =	shalt  }
0x4c: {  	_ =	shalt  }
0x4d: {  	_ =	shalt  }
0x4e: {  	_ =	shalt  }
0x4f: {  	_ =	shalt  }
0x50: {  	_ =	shalt  }
0x51: {  	_ =	shalt  }
0x52: {  	_ =	shalt  }
0x53: {  	_ =	shalt  }
0x54: {  	_ =	shalt  }
0x55: {  	_ =	shalt  }
0x56: {  	_ =	shalt  }
0x57: {  	_ =	shalt  }
0x58: {  	_ =	shalt  }
0x59: {  	_ =	shalt  }
0x5a: {  	_ =	shalt  }
0x5b: {  	_ =	shalt  }
0x5c: {  	_ =	shalt  }
0x5d: {  	_ =	shalt  }
0x5e: {  	_ =	shalt  }
0x5f: {  	_ =	shalt  }
0x60: {  	_ =	shalt  }
0x61: {  	_ =	shalt  }
0x62: {  	_ =	shalt  }
0x63: {  	_ =	shalt  }
0x64: {  	_ =	shalt  }
0x65: {  	_ =	shalt  }
0x66: {  	_ =	shalt  }
0x67: {  	_ =	shalt  }
0x68: {  	_ =	shalt  }
0x69: {  	_ =	shalt  }
0x6a: {  	_ =	shalt  }
0x6b: {  	_ =	shalt  }
0x6c: {  	_ =	shalt  }
0x6d: {  	_ =	shalt  }
0x6e: {  	_ =	shalt  }
0x6f: {  	_ =	shalt  }
0x70: {  	_ =	shalt  }
0x71: {  	_ =	shalt  }
0x72: {  	_ =	shalt  }
0x73: {  	_ =	shalt  }
0x74: {  	_ =	shalt  }
0x75: {  	_ =	shalt  }
0x76: {  	_ =	shalt  }
0x77: {  	_ =	shalt  }
0x78: {  	_ =	shalt  }
0x79: {  	_ =	shalt  }
0x7a: {  	_ =	shalt  }
0x7b: {  	_ =	shalt  }
0x7c: {  	_ =	shalt  }
0x7d: {  	_ =	shalt  }
0x7e: {  	_ =	shalt  }
0x7f: {  	_ =	shalt  }
0x80: {  	_ =	shalt  }
0x81: {  	_ =	shalt  }
0x82: {  	_ =	shalt  }
0x83: {  	_ =	shalt  }
0x84: {  	_ =	shalt  }
0x85: {  	_ =	shalt  }
0x86: {  	_ =	shalt  }
0x87: {  	_ =	shalt  }
.Lfunc_end0:
.L_simem_size_0:
called_computation_lowered:
.L_overlay_start_0:
0x88: {  	s2 =	sld [smem:$0x3FD9]  }
0x89: {  	s3 =	sld [smem:$0x3FFE];
	_ =	sdelay $0x1  }
0x8a: {  	s1 =	srdreg.scid  }
0x8b: {  	s0 =	sand.u32 $0x1, s1  }
0x8c: {  	s17 =	sshll.u32 s0, $0xA;
	s2 =	sadd.s32 s3, s2  }
0x8d: {  	s2 =	sadd.s32 s2, s17  }
0x8e: {  	[smem:$0x3FC6] =	sst s2  }
0x8f: {  	_ = 	snop  }
0x90: {  	s2 =	sld [smem:$0x3FC9]  }
0x91: {  	s18 =	sld [smem:$0x3FC8];
	(tm) =	ssettm $0x1  }
0x92: {  	s4 =	sld [smem:$0x3FFB];
	_ =	sdelay $0x3  }
0x93: {  	_ =	strace s4  }
0x94: {  	s4 =	sld [smem:$0x3FFC];
	_ =	sdelay $0x3  }
0x95: {  	_ =	strace s4  }
0x96: {  	s4 =	sld [smem:$0x3FFD];
	_ =	sdelay $0x3  }
0x97: {  	_ =	strace s4  }
0x98: {  	_ =	strace $0x8FFFFFFF  }
0x99: {  	s19 =	sld [smem:$0x3FDB];
	_ =	sdelay $0x1  }
0x9a: {  	s5 =	simm.s32 $_scs_section_size  }
0x9b: {  	s6 =	simm.s32 $_size__tile_overlayer_lowered;
	s7 =	simm.s32 $_tile_overlayer_lowered  }
0x9c: {  	s22 =	simm.s32 $0x1BFF;
	s21 =	sshll.u32 s7, $0x1;
	s4 =	sadd.s32 s5, s19  }
0x9d: {  	s8 =	simm.s32 $0x0;
	s20 =	sshll.u32 s6, $0x1;
	s6 =	sadd.s32 s21, s4  }
0x9e: {  	[timem:s8], [sflag:s22] =	dma.local [hbm:s6], s20  }
0x9f: {  	_ =	swait.ge [sflag:s22], s20  }
0xa0: {  	s5 =	ssub.s32 $0x0, s20;
	[sflag:s22] =	ssyncset.done $0x0  }
0xa1: {  	[sflag:s22] =	ssyncadd.s32 s5;
	_ =	sdelay $0x1  }
0xa2: {  	s23 =	simm.s32 $0x1B8B  }
0xa3: {  	_ =	swait.ge [sflag:s23], $0x1  }
0xa4: {  	[sflag:s23] =	ssyncset.done $0x0  }
0xa5: {  	s25 =	simm.s32 $0x1B8E;
	s24 =	sld [smem:$0x3FFE];
	[sflag:s23] =	ssyncadd.s32 $0xFFFFFFFF  }
0xa6: {  	s26 =	simm.s32 $execute0_lowered;
	[smem:$0x3FD2] =	sst s25  }
0xa7: {  	s6 =	sshll.u32 s26, $0x1;
	_ =	strace $0x80000046;
	[dreg:$0x1] =	wrdreg $0xFFFFFFFF  }
0xa8: {  	s28 =	simm.s32 $_size_execute0_lowered;
	s4 =	sadd.s32 s4, s6;
	[dreg:$0x0] =	wrdreg $0x0  }
0xa9: {  	s6 =	sshll.u32 s28, $0x1;
	[dreg:$0x2] =	wrdreg s4  }
0xaa: {  	[dreg:$0x3] =	wrdreg s6  }
0xab: {  	[dreg:$0x4] =	wrdreg $0xC0  }
0xac: {  	_ =	task [dreg:s8], $0x5FFFF  }
0xad: {  	[dreg:$0x1] =	wrdreg $0xFFFFFFFF  }
0xae: {  	[dreg:$0x0] =	wrdreg $0x60  }
0xaf: {  	[dreg:$0x2] =	wrdreg s2  }
0xb0: {  	[dreg:$0x3] =	wrdreg s18  }
0xb1: {  	[dreg:$0x4] =	wrdreg s24  }
0xb2: {  	[dreg:$0x5] =	wrdreg $0x9  }
0xb3: {  	_ =	task.clear_ibuf [dreg:s8], $0x6FFFF;
	_ =	strace $0x90000046  }
0xb4: {  	s29 =	simm.s32 $0x9;
	_ =	strace $0x80000048  }
0xb5: {  	_ =	swait.ge [sflag:s29], $0x1  }
0xb6: {  	[sflag:s29] =	ssyncadd.s32 $0xFFFFFFFF  }
0xb7: {  	_ =	strace $0x90000048  }
0xb8: {  	_ =	sfence  }
0xb9: {  	s30 =	sld [smem:$0x0];
	_ =	sdelay $0x2  }
0xba: {  	s31 =	sshll.u32 s1, $0xD;
	s1 =	sshrl.u32 s1, $0x2  }
0xbb: {  	s3 =	sand.u32 $0x4000, s31;
	s1 =	sadd.s32 s1, s30  }
0xbc: {  	s0 =	sor.u32 s3, s0;
	s1 =	sshll.u32 s1, $0x11  }
0xbd: {  	s0 =	sor.u32 s1, s0  }
0xbe: {  	s0 =	sadd.s32 $0x8F2B, s0  }
0xbf: {  	[sflag:s0] =	ssyncadd.remote.s32 $0x1  }
0xc0: {  	_ =	sfence.sel $0xFFFF  }
0xc1: {  	[dreg:$0x0] =	wrdreg $0xFFFFFFFF;
	(pc) =	sbr.abs _section_cstart, $3  }
0xc2: {  	[dreg:$0x1] =	wrdreg $0xFFFFFFFF  }
0xc3: {  	_ =	task.clear_ibuf [dreg:s8], $0x2FFFF;
	_ =	strace $0x9FFFFFFF  }
0xc4: {  	(tm) =	ssettm $0x7FFFFFFF  }
0xc5: {  	_ =	shalt  }
tec
execute0_lowered:
.L_overlay_start_1:
0x0: {  	(tag) =	ssettag $0x1  }
0x1: {  	s3 =	rddreg [dreg:$0x0]  }
0x2: {  	s0 =	srdreg.scid;
	s1 =	rddreg [dreg:$0x1]  }
0x3: {  	s2 =	stileid.u32;
	s4 =	rddreg [dreg:$0x2];
	s28 =	simm.s32 $0x11  }
0x4: {  	s23 =	simm.s32 $0x40;
	s21 =	simm.s32 $0x200;
	s20 =	simm.s32 $0x80  }
0x5: {  	s22 =	simm.s32 $0xC0;
	s24 =	simm.s32 $0x100;
	s25 =	simm.s32 $0x140  }
0x6: {  	s26 =	simm.s32 $0x180;
	s9 =	simm.s32 $0xC200;
	s7 =	simm.s32 $0xE200  }
0x7: {  	s30 =	simm.s32 $0x1;
	s5 =	sshll.u32 s2, $0xA;
	s2 =	simm.s32 $0x0  }
0x8: {  	s29 =	simm.s32 $0x2;
	p0 =	por $0x0, $0x0;
	[smem:$0x7FF] =	sst s2  }
0x9: {  	s10 =	simm.s32 $0xC;
	_ =	strace $0x80000047;
	[dreg:$0xd] =	wrdreg s20  }
0xa: {  	s8 =	simm.s32 $0xD;
	s0 =	sand.u32 $0x1, s0;
	[dreg:$0xe] =	wrdreg s22  }
0xb: {  	s6 =	sshll.u32 s0, $0x9;
	s0 =	ssub.s32 $0x2, s0;
	[dreg:$0xf] =	wrdreg s24  }
0xc: {  	s5 =	sor.u32 s6, s5;
	s18 =	sshrl.u32 s0, $0x1;
	[dreg:$0x10] =	wrdreg s25  }
0xd: {  	[dreg:$0x11] =	wrdreg s26;
	s26 =	simm.s32 $0x3;
	s25 =	simm.s32 $0x4  }
0xe: {  	s24 =	simm.s32 $0x5;
	s6 =	sshll.u32 s5, $0x4;
	s5 =	sshrl.u32 s5, $0x3  }
0xf: {  	s22 =	simm.s32 $0x6;
	s4 =	sadd.s32 s6, s4;
	s1 =	sadd.s32 s1, s5  }
0x10: {  	s20 =	simm.s32 $0x7;
	[dreg:$0x4] =	wrdreg s1;
	s11 =	sadd.s32 $0x600, s4  }
0x11: {  	s0 =	ssub.s32 s0, s18;
	s12 =	sadd.s32 $0xA00, s4;
	[dreg:$0x5] =	wrdreg s11  }
0x12: {  	s18 =	simm.s32 $0x4200;
	s13 =	sadd.s32 $0xE00, s4;
	[dreg:$0x6] =	wrdreg s12  }
0x13: {  	s0 =	smax.u32 s0, $0x1;
	s14 =	sadd.s32 $0x1200, s4;
	[dreg:$0x7] =	wrdreg s13  }
0x14: {  	s6 =	simm.s32 $0xE;
	s15 =	sadd.s32 $0x1600, s4;
	[dreg:$0x8] =	wrdreg s14  }
0x15: {  	s5 =	simm.s32 $0xF;
	s16 =	sadd.s32 $0x1A00, s4;
	[dreg:$0x9] =	wrdreg s15  }
0x16: {  	s17 =	sadd.s32 $0x1E00, s4;
	p1 =	sne.s32 s0, $0x1;
	[dreg:$0xa] =	wrdreg s16  }
.Ltmp0:
0x17: {  	s19 =	sadd.s32 $0x2200, s4;
	[dreg:$0xb] =	wrdreg s17;
	(pc) =	sbr.rel @!p1 .LBB2_1-.Ltmp0, $4  }
0x18: {  	s31 =	sadd.s32 $0xFFFFFFFF, s0;
	s4 =	simm.s32 $0x10;
	[dreg:$0xc] =	wrdreg s19  }
0x19: {  	s19 =	simm.s32 $0x2200;
	s16 =	simm.s32 $0x6200;
	s15 =	simm.s32 $0x8200  }
0x1a: {  	s12 =	simm.s32 $0xA200;
	s17 =	simm.s32 $0x8;
	s14 =	simm.s32 $0x9  }
0x1b: {  	s11 =	simm.s32 $0xA;
	s13 =	simm.s32 $0xB;
	s0 =	rddreg [dreg:$0x4]  }
0x1c: {  	[tilespmem:s2], [sflag:$0x11] =	stream.linear.gather [hbm4b:s0+s2], $0x200, $0x38;
	[tilespmem:$0x10200] =	vst v63  }
0x1d: {  	_ =	swait.ge [sflag:s28], $0x200  }
0x1e: {  	[sflag:s28] =	ssyncset.done $0x0  }
0x1f: {  	[sflag:s28] =	ssyncadd.s32 $0xFFFFFE00  }
0x20: {  	[tilespmem:s21], [sflag:$0x1] =	stream.indirect.gather [hbm4b:s3+s23], $0x80, s2, s23, $0xb8;
	[tilespmem:$0x10200] =	vst v63  }
0x21: {  	_ = 	snop  }
0x22: {  	[tilespmem:s19], [sflag:$0x2] =	stream.indirect.gather [hbm4b:s3+s23], $0x80, s23, s23, $0xb8;
	[tilespmem:$0x10200] =	vst v63  }
0x23: {  	s0 =	rddreg [dreg:$0xd]  }
0x24: {  	[tilespmem:s18], [sflag:$0x3] =	stream.indirect.gather [hbm4b:s3+s23], $0x80, s0, s23, $0xb8;
	[tilespmem:$0x10200] =	vst v63  }
0x25: {  	s1 =	rddreg [dreg:$0xe]  }
0x26: {  	[tilespmem:s16], [sflag:$0x4] =	stream.indirect.gather [hbm4b:s3+s23], $0x80, s1, s23, $0xb8;
	[tilespmem:$0x10200] =	vst v63  }
0x27: {  	s0 =	rddreg [dreg:$0xf]  }
0x28: {  	[tilespmem:s15], [sflag:$0x5] =	stream.indirect.gather [hbm4b:s3+s23], $0x80, s0, s23, $0xb8;
	[tilespmem:$0x10200] =	vst v63  }
0x29: {  	s1 =	rddreg [dreg:$0x10]  }
0x2a: {  	[tilespmem:s12], [sflag:$0x6] =	stream.indirect.gather [hbm4b:s3+s23], $0x80, s1, s23, $0xb8;
	[tilespmem:$0x10200] =	vst v63  }
0x2b: {  	s0 =	rddreg [dreg:$0x11]  }
0x2c: {  	[tilespmem:s9], [sflag:$0x7] =	stream.indirect.gather [hbm4b:s3+s23], $0x80, s0, s23, $0xb8;
	[tilespmem:$0x10200] =	vst v63  }
0x2d: {  	s1 =	simm.s32 $0x1C0  }
0x2e: {  	[tilespmem:s7], [sflag:$0x8] =	stream.indirect.gather [hbm4b:s3+s23], $0x80, s1, s23, $0xb8;
	[tilespmem:$0x10200] =	vst v63  }
0x2f: {  	_ =	swait.ge [sflag:s30], $0x2000  }
0x30: {  	[sflag:s30] =	ssyncset.done $0x0  }
0x31: {  	s1 =	rddreg [dreg:$0x5];
	[sflag:s30] =	ssyncadd.s32 $0xFFFFE000  }
0x32: {  	[hbm4b:s1+s2] =	stream.linear.scatter [tilespmem:s21], [sflag:$0x9], $0x2000, $0x38;
	[tilespmem:$0x10200] =	vst v63  }
0x33: {  	_ =	swait.ge [sflag:s29], $0x2000  }
0x34: {  	[sflag:s29] =	ssyncset.done $0x0  }
0x35: {  	s1 =	rddreg [dreg:$0x6];
	[sflag:s29] =	ssyncadd.s32 $0xFFFFE000  }
0x36: {  	[hbm4b:s1+s2] =	stream.linear.scatter [tilespmem:s19], [sflag:$0xA], $0x2000, $0x38;
	[tilespmem:$0x10200] =	vst v63  }
0x37: {  	_ =	swait.ge [sflag:s26], $0x2000  }
0x38: {  	[sflag:s26] =	ssyncset.done $0x0  }
0x39: {  	s1 =	rddreg [dreg:$0x7];
	[sflag:s26] =	ssyncadd.s32 $0xFFFFE000  }
0x3a: {  	[hbm4b:s1+s2] =	stream.linear.scatter [tilespmem:s18], [sflag:$0xB], $0x2000, $0x38;
	[tilespmem:$0x10200] =	vst v63  }
0x3b: {  	_ =	swait.ge [sflag:s25], $0x2000  }
0x3c: {  	[sflag:s25] =	ssyncset.done $0x0  }
0x3d: {  	s1 =	rddreg [dreg:$0x8];
	[sflag:s25] =	ssyncadd.s32 $0xFFFFE000  }
0x3e: {  	[hbm4b:s1+s2] =	stream.linear.scatter [tilespmem:s16], [sflag:$0xC], $0x2000, $0x38;
	[tilespmem:$0x10200] =	vst v63  }
0x3f: {  	_ =	swait.ge [sflag:s24], $0x2000  }
0x40: {  	[sflag:s24] =	ssyncset.done $0x0  }
0x41: {  	s1 =	rddreg [dreg:$0x9];
	[sflag:s24] =	ssyncadd.s32 $0xFFFFE000  }
0x42: {  	[hbm4b:s1+s2] =	stream.linear.scatter [tilespmem:s15], [sflag:$0xD], $0x2000, $0x38;
	[tilespmem:$0x10200] =	vst v63  }
0x43: {  	_ =	swait.ge [sflag:s22], $0x2000  }
0x44: {  	[sflag:s22] =	ssyncset.done $0x0  }
0x45: {  	s1 =	rddreg [dreg:$0xa];
	[sflag:s22] =	ssyncadd.s32 $0xFFFFE000  }
0x46: {  	[hbm4b:s1+s2] =	stream.linear.scatter [tilespmem:s12], [sflag:$0xE], $0x2000, $0x38;
	[tilespmem:$0x10200] =	vst v63  }
0x47: {  	_ =	swait.ge [sflag:s20], $0x2000  }
0x48: {  	[sflag:s20] =	ssyncset.done $0x0  }
0x49: {  	s1 =	rddreg [dreg:$0xb];
	[sflag:s20] =	ssyncadd.s32 $0xFFFFE000  }
0x4a: {  	[hbm4b:s1+s2] =	stream.linear.scatter [tilespmem:s9], [sflag:$0xF], $0x2000, $0x38;
	[tilespmem:$0x10200] =	vst v63  }
0x4b: {  	_ =	swait.ge [sflag:s17], $0x2000  }
0x4c: {  	[sflag:s17] =	ssyncset.done $0x0  }
0x4d: {  	s1 =	rddreg [dreg:$0xc];
	[sflag:s17] =	ssyncadd.s32 $0xFFFFE000  }
0x4e: {  	[hbm4b:s1+s2] =	stream.linear.scatter [tilespmem:s7], [sflag:$0x10], $0x2000, $0x38;
	[tilespmem:$0x10200] =	vst v63  }
0x4f: {  	_ =	swait.ge [sflag:s14], $0x2000  }
0x50: {  	[sflag:s14] =	ssyncset.done $0x0  }
0x51: {  	[sflag:s14] =	ssyncadd.s32 $0xFFFFE000  }
0x52: {  	_ =	swait.ge [sflag:s11], $0x2000  }
0x53: {  	[sflag:s11] =	ssyncset.done $0x0  }
0x54: {  	[sflag:s11] =	ssyncadd.s32 $0xFFFFE000  }
0x55: {  	_ =	swait.ge [sflag:s13], $0x2000  }
0x56: {  	[sflag:s13] =	ssyncset.done $0x0  }
0x57: {  	[sflag:s13] =	ssyncadd.s32 $0xFFFFE000  }
0x58: {  	_ =	swait.ge [sflag:s10], $0x2000  }
0x59: {  	[sflag:s10] =	ssyncset.done $0x0  }
0x5a: {  	[sflag:s10] =	ssyncadd.s32 $0xFFFFE000  }
0x5b: {  	_ =	swait.ge [sflag:s8], $0x2000  }
0x5c: {  	[sflag:s8] =	ssyncset.done $0x0  }
0x5d: {  	[sflag:s8] =	ssyncadd.s32 $0xFFFFE000  }
0x5e: {  	_ =	swait.ge [sflag:s6], $0x2000  }
0x5f: {  	[sflag:s6] =	ssyncset.done $0x0  }
0x60: {  	p1 =	sne.s32 s31, $0x1;
	[sflag:s6] =	ssyncadd.s32 $0xFFFFE000  }
.Ltmp1:
0x61: {  	_ =	swait.ge [sflag:s5], $0x2000;
	(pc) =	sbr.rel @!p1 .LBB2_3-.Ltmp1, $4  }
0x62: {  	[sflag:s5] =	ssyncset.done $0x0  }
0x63: {  	[sflag:s5] =	ssyncadd.s32 $0xFFFFE000  }
0x64: {  	p0 =	por $0x1, $0x1;
	_ =	swait.ge [sflag:s4], $0x2000  }
0x65: {  	s1 =	sadd.s32 $0xFFFFFFFF, s31;
	s0 =	rddreg [dreg:$0x4];
	[sflag:s4] =	ssyncset.done $0x0  }
.LBB2_4:
0x66: {  	[sflag:s4] =	ssyncadd.s32 $0xFFFFE000  }
0x67: {  	[tilespmem:s2], [sflag:$0x11] =	stream.linear.gather [hbm4b:s0+s2], $0x200, $0x38;
	[tilespmem:$0x10200] =	vst v63  }
0x68: {  	_ =	swait.ge [sflag:s28], $0x200  }
0x69: {  	[sflag:s28] =	ssyncset.done $0x0  }
0x6a: {  	[sflag:s28] =	ssyncadd.s32 $0xFFFFFE00  }
0x6b: {  	[tilespmem:s21], [sflag:$0x1] =	stream.indirect.gather [hbm4b:s3+s23], $0x80, s2, s23, $0xb8;
	[tilespmem:$0x10200] =	vst v63  }
0x6c: {  	_ = 	snop  }
0x6d: {  	[tilespmem:s19], [sflag:$0x2] =	stream.indirect.gather [hbm4b:s3+s23], $0x80, s23, s23, $0xb8;
	[tilespmem:$0x10200] =	vst v63  }
0x6e: {  	s0 =	rddreg [dreg:$0xd]  }
0x6f: {  	[tilespmem:s18], [sflag:$0x3] =	stream.indirect.gather [hbm4b:s3+s23], $0x80, s0, s23, $0xb8;
	[tilespmem:$0x10200] =	vst v63  }
0x70: {  	s31 =	rddreg [dreg:$0xe]  }
0x71: {  	[tilespmem:s16], [sflag:$0x4] =	stream.indirect.gather [hbm4b:s3+s23], $0x80, s31, s23, $0xb8;
	[tilespmem:$0x10200] =	vst v63  }
0x72: {  	s0 =	rddreg [dreg:$0xf]  }
0x73: {  	[tilespmem:s15], [sflag:$0x5] =	stream.indirect.gather [hbm4b:s3+s23], $0x80, s0, s23, $0xb8;
	[tilespmem:$0x10200] =	vst v63  }
0x74: {  	s31 =	rddreg [dreg:$0x10]  }
0x75: {  	[tilespmem:s12], [sflag:$0x6] =	stream.indirect.gather [hbm4b:s3+s23], $0x80, s31, s23, $0xb8;
	[tilespmem:$0x10200] =	vst v63  }
0x76: {  	s0 =	rddreg [dreg:$0x11]  }
0x77: {  	[tilespmem:s9], [sflag:$0x7] =	stream.indirect.gather [hbm4b:s3+s23], $0x80, s0, s23, $0xb8;
	[tilespmem:$0x10200] =	vst v63  }
0x78: {  	s31 =	simm.s32 $0x1C0  }
0x79: {  	[tilespmem:s7], [sflag:$0x8] =	stream.indirect.gather [hbm4b:s3+s23], $0x80, s31, s23, $0xb8;
	[tilespmem:$0x10200] =	vst v63  }
0x7a: {  	_ =	swait.ge [sflag:s30], $0x2000  }
0x7b: {  	[sflag:s30] =	ssyncset.done $0x0  }
0x7c: {  	s31 =	rddreg [dreg:$0x5];
	[sflag:s30] =	ssyncadd.s32 $0xFFFFE000  }
0x7d: {  	[hbm4b:s31+s2] =	stream.linear.scatter [tilespmem:s21], [sflag:$0x9], $0x2000, $0x38;
	[tilespmem:$0x10200] =	vst v63  }
0x7e: {  	_ =	swait.ge [sflag:s29], $0x2000  }
0x7f: {  	[sflag:s29] =	ssyncset.done $0x0  }
0x80: {  	s31 =	rddreg [dreg:$0x6];
	[sflag:s29] =	ssyncadd.s32 $0xFFFFE000  }
0x81: {  	[hbm4b:s31+s2] =	stream.linear.scatter [tilespmem:s19], [sflag:$0xA], $0x2000, $0x38;
	[tilespmem:$0x10200] =	vst v63  }
0x82: {  	_ =	swait.ge [sflag:s26], $0x2000  }
0x83: {  	[sflag:s26] =	ssyncset.done $0x0  }
0x84: {  	s31 =	rddreg [dreg:$0x7];
	[sflag:s26] =	ssyncadd.s32 $0xFFFFE000  }
0x85: {  	[hbm4b:s31+s2] =	stream.linear.scatter [tilespmem:s18], [sflag:$0xB], $0x2000, $0x38;
	[tilespmem:$0x10200] =	vst v63  }
0x86: {  	_ =	swait.ge [sflag:s25], $0x2000  }
0x87: {  	[sflag:s25] =	ssyncset.done $0x0  }
0x88: {  	s31 =	rddreg [dreg:$0x8];
	[sflag:s25] =	ssyncadd.s32 $0xFFFFE000  }
0x89: {  	[hbm4b:s31+s2] =	stream.linear.scatter [tilespmem:s16], [sflag:$0xC], $0x2000, $0x38;
	[tilespmem:$0x10200] =	vst v63  }
0x8a: {  	_ =	swait.ge [sflag:s24], $0x2000  }
0x8b: {  	[sflag:s24] =	ssyncset.done $0x0  }
0x8c: {  	s31 =	rddreg [dreg:$0x9];
	[sflag:s24] =	ssyncadd.s32 $0xFFFFE000  }
0x8d: {  	[hbm4b:s31+s2] =	stream.linear.scatter [tilespmem:s15], [sflag:$0xD], $0x2000, $0x38;
	[tilespmem:$0x10200] =	vst v63  }
0x8e: {  	_ =	swait.ge [sflag:s22], $0x2000  }
0x8f: {  	[sflag:s22] =	ssyncset.done $0x0  }
0x90: {  	s31 =	rddreg [dreg:$0xa];
	[sflag:s22] =	ssyncadd.s32 $0xFFFFE000  }
0x91: {  	[hbm4b:s31+s2] =	stream.linear.scatter [tilespmem:s12], [sflag:$0xE], $0x2000, $0x38;
	[tilespmem:$0x10200] =	vst v63  }
0x92: {  	_ =	swait.ge [sflag:s20], $0x2000  }
0x93: {  	[sflag:s20] =	ssyncset.done $0x0  }
0x94: {  	s31 =	rddreg [dreg:$0xb];
	[sflag:s20] =	ssyncadd.s32 $0xFFFFE000  }
0x95: {  	[hbm4b:s31+s2] =	stream.linear.scatter [tilespmem:s9], [sflag:$0xF], $0x2000, $0x38;
	[tilespmem:$0x10200] =	vst v63  }
0x96: {  	_ =	swait.ge [sflag:s17], $0x2000  }
0x97: {  	[sflag:s17] =	ssyncset.done $0x0  }
0x98: {  	s31 =	rddreg [dreg:$0xc];
	[sflag:s17] =	ssyncadd.s32 $0xFFFFE000  }
0x99: {  	[hbm4b:s31+s2] =	stream.linear.scatter [tilespmem:s7], [sflag:$0x10], $0x2000, $0x38;
	[tilespmem:$0x10200] =	vst v63  }
0x9a: {  	_ =	swait.ge [sflag:s14], $0x2000  }
0x9b: {  	[sflag:s14] =	ssyncset.done $0x0  }
0x9c: {  	[sflag:s14] =	ssyncadd.s32 $0xFFFFE000  }
0x9d: {  	_ =	swait.ge [sflag:s11], $0x2000  }
0x9e: {  	[sflag:s11] =	ssyncset.done $0x0  }
0x9f: {  	[sflag:s11] =	ssyncadd.s32 $0xFFFFE000  }
0xa0: {  	_ =	swait.ge [sflag:s13], $0x2000  }
0xa1: {  	[sflag:s13] =	ssyncset.done $0x0  }
0xa2: {  	[sflag:s13] =	ssyncadd.s32 $0xFFFFE000  }
0xa3: {  	_ =	swait.ge [sflag:s10], $0x2000  }
0xa4: {  	[sflag:s10] =	ssyncset.done $0x0  }
0xa5: {  	[sflag:s10] =	ssyncadd.s32 $0xFFFFE000  }
0xa6: {  	_ =	swait.ge [sflag:s8], $0x2000  }
0xa7: {  	[sflag:s8] =	ssyncset.done $0x0  }
0xa8: {  	[sflag:s8] =	ssyncadd.s32 $0xFFFFE000  }
0xa9: {  	_ =	swait.ge [sflag:s6], $0x2000  }
0xaa: {  	[sflag:s6] =	ssyncset.done $0x0  }
0xab: {  	p1 =	sne.s32 s1, $0x1;
	[sflag:s6] =	ssyncadd.s32 $0xFFFFE000  }
.Ltmp2:
0xac: {  	_ =	swait.ge [sflag:s5], $0x2000;
	(pc) =	sbr.rel @p1 .LBB2_4-.Ltmp2, $4  }
0xad: {  	[sflag:s5] =	ssyncset.done $0x0  }
0xae: {  	[sflag:s5] =	ssyncadd.s32 $0xFFFFE000  }
0xaf: {  	_ =	swait.ge [sflag:s4], $0x2000  }
0xb0: {  	s1 =	sadd.s32 $0xFFFFFFFF, s1;
	s0 =	rddreg [dreg:$0x4];
	[sflag:s4] =	ssyncset.done $0x0  }
0xb1: {  	s31 =	simm.s32 $0x1C0  }
.LBB2_6:
0xb2: {  	[sflag:s4] =	ssyncadd.s32 @p0 $0xFFFFE000  }
0xb3: {  	[tilespmem:s2], [sflag:$0x11] =	stream.linear.gather [hbm4b:s0+s2], $0x200, $0x38;
	[tilespmem:$0x10200] =	vst v63  }
0xb4: {  	_ =	swait.ge [sflag:s28], $0x200  }
0xb5: {  	[sflag:s28] =	ssyncset.done $0x0  }
0xb6: {  	[sflag:s28] =	ssyncadd.s32 $0xFFFFFE00  }
0xb7: {  	[tilespmem:s21], [sflag:$0x1] =	stream.indirect.gather [hbm4b:s3+s23], $0x80, s2, s23, $0xb8;
	[tilespmem:$0x10200] =	vst v63  }
0xb8: {  	_ = 	snop  }
0xb9: {  	[tilespmem:s19], [sflag:$0x2] =	stream.indirect.gather [hbm4b:s3+s23], $0x80, s23, s23, $0xb8;
	[tilespmem:$0x10200] =	vst v63  }
0xba: {  	s28 =	rddreg [dreg:$0xd]  }
0xbb: {  	[tilespmem:s18], [sflag:$0x3] =	stream.indirect.gather [hbm4b:s3+s23], $0x80, s28, s23, $0xb8;
	[tilespmem:$0x10200] =	vst v63  }
0xbc: {  	s1 =	rddreg [dreg:$0xe]  }
0xbd: {  	[tilespmem:s16], [sflag:$0x4] =	stream.indirect.gather [hbm4b:s3+s23], $0x80, s1, s23, $0xb8;
	[tilespmem:$0x10200] =	vst v63  }
0xbe: {  	s28 =	rddreg [dreg:$0xf]  }
0xbf: {  	[tilespmem:s15], [sflag:$0x5] =	stream.indirect.gather [hbm4b:s3+s23], $0x80, s28, s23, $0xb8;
	[tilespmem:$0x10200] =	vst v63  }
0xc0: {  	s1 =	rddreg [dreg:$0x10]  }
0xc1: {  	[tilespmem:s12], [sflag:$0x6] =	stream.indirect.gather [hbm4b:s3+s23], $0x80, s1, s23, $0xb8;
	[tilespmem:$0x10200] =	vst v63  }
0xc2: {  	s28 =	rddreg [dreg:$0x11]  }
0xc3: {  	[tilespmem:s9], [sflag:$0x7] =	stream.indirect.gather [hbm4b:s3+s23], $0x80, s28, s23, $0xb8;
	[tilespmem:$0x10200] =	vst v63  }
0xc4: {  	_ = 	snop  }
0xc5: {  	[tilespmem:s7], [sflag:$0x8] =	stream.indirect.gather [hbm4b:s3+s23], $0x80, s31, s23, $0xb8;
	[tilespmem:$0x10200] =	vst v63  }
0xc6: {  	_ =	swait.ge [sflag:s30], $0x2000  }
0xc7: {  	[sflag:s30] =	ssyncset.done $0x0  }
0xc8: {  	s1 =	rddreg [dreg:$0x5];
	[sflag:s30] =	ssyncadd.s32 $0xFFFFE000  }
0xc9: {  	[hbm4b:s1+s2] =	stream.linear.scatter [tilespmem:s21], [sflag:$0x9], $0x2000, $0x38;
	[tilespmem:$0x10200] =	vst v63  }
0xca: {  	_ =	swait.ge [sflag:s29], $0x2000  }
0xcb: {  	[sflag:s29] =	ssyncset.done $0x0  }
0xcc: {  	s3 =	rddreg [dreg:$0x6];
	[sflag:s29] =	ssyncadd.s32 $0xFFFFE000  }
0xcd: {  	[hbm4b:s3+s2] =	stream.linear.scatter [tilespmem:s19], [sflag:$0xA], $0x2000, $0x38;
	[tilespmem:$0x10200] =	vst v63  }
0xce: {  	_ =	swait.ge [sflag:s26], $0x2000  }
0xcf: {  	[sflag:s26] =	ssyncset.done $0x0  }
0xd0: {  	s21 =	rddreg [dreg:$0x7];
	[sflag:s26] =	ssyncadd.s32 $0xFFFFE000  }
0xd1: {  	[hbm4b:s21+s2] =	stream.linear.scatter [tilespmem:s18], [sflag:$0xB], $0x2000, $0x38;
	[tilespmem:$0x10200] =	vst v63  }
0xd2: {  	_ =	swait.ge [sflag:s25], $0x2000  }
0xd3: {  	[sflag:s25] =	ssyncset.done $0x0  }
0xd4: {  	s23 =	rddreg [dreg:$0x8];
	[sflag:s25] =	ssyncadd.s32 $0xFFFFE000  }
0xd5: {  	[hbm4b:s23+s2] =	stream.linear.scatter [tilespmem:s16], [sflag:$0xC], $0x2000, $0x38;
	[tilespmem:$0x10200] =	vst v63  }
0xd6: {  	_ =	swait.ge [sflag:s24], $0x2000  }
0xd7: {  	[sflag:s24] =	ssyncset.done $0x0  }
0xd8: {  	s26 =	rddreg [dreg:$0x9];
	[sflag:s24] =	ssyncadd.s32 $0xFFFFE000  }
0xd9: {  	[hbm4b:s26+s2] =	stream.linear.scatter [tilespmem:s15], [sflag:$0xD], $0x2000, $0x38;
	[tilespmem:$0x10200] =	vst v63  }
0xda: {  	_ =	swait.ge [sflag:s22], $0x2000  }
0xdb: {  	[sflag:s22] =	ssyncset.done $0x0  }
0xdc: {  	s28 =	rddreg [dreg:$0xa];
	[sflag:s22] =	ssyncadd.s32 $0xFFFFE000  }
0xdd: {  	[hbm4b:s28+s2] =	stream.linear.scatter [tilespmem:s12], [sflag:$0xE], $0x2000, $0x38;
	[tilespmem:$0x10200] =	vst v63  }
0xde: {  	_ =	swait.ge [sflag:s20], $0x2000  }
0xdf: {  	[sflag:s20] =	ssyncset.done $0x0  }
0xe0: {  	s29 =	rddreg [dreg:$0xb];
	[sflag:s20] =	ssyncadd.s32 $0xFFFFE000  }
0xe1: {  	[hbm4b:s29+s2] =	stream.linear.scatter [tilespmem:s9], [sflag:$0xF], $0x2000, $0x38;
	[tilespmem:$0x10200] =	vst v63  }
0xe2: {  	_ =	swait.ge [sflag:s17], $0x2000  }
0xe3: {  	[sflag:s17] =	ssyncset.done $0x0  }
0xe4: {  	s30 =	rddreg [dreg:$0xc];
	[sflag:s17] =	ssyncadd.s32 $0xFFFFE000  }
0xe5: {  	[hbm4b:s30+s2] =	stream.linear.scatter [tilespmem:s7], [sflag:$0x10], $0x2000, $0x38;
	[tilespmem:$0x10200] =	vst v63  }
0xe6: {  	_ =	swait.ge [sflag:s14], $0x2000  }
0xe7: {  	[sflag:s14] =	ssyncset.done $0x0  }
0xe8: {  	[sflag:s14] =	ssyncadd.s32 $0xFFFFE000  }
0xe9: {  	_ =	swait.ge [sflag:s11], $0x2000  }
0xea: {  	[sflag:s11] =	ssyncset.done $0x0  }
0xeb: {  	[sflag:s11] =	ssyncadd.s32 $0xFFFFE000  }
0xec: {  	_ =	swait.ge [sflag:s13], $0x2000  }
0xed: {  	[sflag:s13] =	ssyncset.done $0x0  }
0xee: {  	[sflag:s13] =	ssyncadd.s32 $0xFFFFE000  }
0xef: {  	_ =	swait.ge [sflag:s10], $0x2000  }
0xf0: {  	[sflag:s10] =	ssyncset.done $0x0  }
0xf1: {  	[sflag:s10] =	ssyncadd.s32 $0xFFFFE000  }
0xf2: {  	_ =	swait.ge [sflag:s8], $0x2000  }
0xf3: {  	[sflag:s8] =	ssyncset.done $0x0  }
0xf4: {  	[sflag:s8] =	ssyncadd.s32 $0xFFFFE000  }
0xf5: {  	_ =	swait.ge [sflag:s6], $0x2000  }
0xf6: {  	[sflag:s6] =	ssyncset.done $0x0  }
0xf7: {  	[sflag:s6] =	ssyncadd.s32 $0xFFFFE000  }
0xf8: {  	_ =	swait.ge [sflag:s5], $0x2000  }
0xf9: {  	[sflag:s5] =	ssyncset.done $0x0  }
0xfa: {  	[sflag:s5] =	ssyncadd.s32 $0xFFFFE000  }
0xfb: {  	_ =	swait.ge [sflag:s4], $0x2000  }
0xfc: {  	[sflag:s4] =	ssyncset.done $0x0  }
0xfd: {  	[sflag:s4] =	ssyncadd.s32 $0xFFFFE000  }
0xfe: {  	_ =	sfence.sel $0x180000  }
0xff: {  	[bflag:$0x0] =	sbarrier.arrive $0xFFFF  }
0x100: {  	_ =	strace $0x90000047  }
0x101: {  	s31 =	stileid.u32;
	[bflag:$0x2] =	sbarrier.arrive $0xFFFF  }
0x102: {  	p0 =	sne.s32 s31, $0x0;
	s0 =	rddreg [dreg:$0x3]  }
0x103: {  	s0 =	sadd.s32 @!p0 $0x100000, s0  }
0x104: {  	[sflag:s0] =	ssyncadd.tile.s32 @!p0 $0x1;
	_ =	shalt  }
.LBB2_1:
.Ltmp3:
0x105: {  	(pc) =	sbr.rel .LBB2_6-.Ltmp3, $2  }
0x106: {  	_ =	sdelay $0x2  }
0x107: {  	s31 =	simm.s32 $0x1C0  }
.LBB2_3:
.Ltmp4:
0x108: {  	(pc) =	sbr.rel .LBB2_6-.Ltmp4, $2  }
0x109: {  	_ =	sdelay $0x2  }
0x10a: {  	s31 =	simm.s32 $0x1C0  }
.Lfunc_end2:
_tile_overlayer_lowered:
.L_overlay_start_2:
0x10b: {  	(tag) =	ssettag $0x2  }
0x10c: {  	s0 =	rddreg [dreg:$0x0];
	s2 =	stileid.u32  }
0x10d: {  	s1 =	rddreg [dreg:$0x1];
	p0 =	sne.s32 s2, $0x0  }
0x10e: {  	s3 =	rddreg [dreg:$0x2];
	[bflag:$0x3] =	sbarrier.arrive $0xFFFF;
	s2 =	simm.s32 @!p0 $0x1C11  }
0x10f: {  	[timem:s3], [sflag:s2] =	dma.local @!p0 [hbm:s0], s1  }
0x110: {  	s0 =	simm.s32 @!p0 $0x11  }
0x111: {  	_ =	swait.ge @!p0 [sflag:s0], s1  }
0x112: {  	s1 =	ssub.s32 @!p0 $0x0, s1;
	[sflag:s0] =	ssyncset.done @!p0 $0x0  }
0x113: {  	[sflag:s0] =	ssyncadd.s32 @!p0 s1  }
0x114: {  	[bflag:$0x3] =	sbarrier.arrive $0xFFFF  }
0x115: {  	_ =	shalt  }

</sc_bundles>
